<compile_context>
chip_gen: v7x
topology: tpu7x:2x2x1
jax: 0.10.2.dev20260603
libtpu: 0.0.44.dev20260713+nightly
codegen_flags: <defaults>
</compile_context>

<pallas_src>
import jax
import jax.numpy as jnp
from jax import lax
from jax.experimental import pallas as pl
from jax.experimental.pallas import tpu as pltpu
from jax.experimental.pallas import tpu_sc as plsc

B, V, F, E, C = 2, 10000, 128, 160000, 128


_EK = 80
_EPW = E // 16
_STEPS = _EPW // _EK
_VPW = 624
_VTAIL = V - 16 * _VPW
_SPW = 640
_STAIL = V - 15 * _SPW


def _sc_body(x_hbm, src_hbm, dst_hbm, attr_hbm,
             out_hbm, sout_hbm,
             acc_sh, s_sh, src_all, dst_all,
             rows_a, rows_b, attr_a, attr_b, sbuf_v,
             sem_ga, sem_gb, sem_ta, sem_tb):
    c = lax.axis_index("c")
    s = lax.axis_index("s")

    zeros16 = jnp.zeros((16,), jnp.float32)

    def zrow(r, carry):
        for k in range(C // 16):
            rows_a[r, pl.ds(16 * k, 16)] = zeros16
        return carry

    lax.fori_loop(0, _EK, zrow, 0)
    for k in range(_SPW // 16):
        sbuf_v[pl.ds(16 * k, 16)] = zeros16

    v_base = s * _VPW
    for t in range(7):
        pltpu.sync_copy(rows_a, acc_sh.at[pl.ds(v_base + t * _EK, _EK)])
    pltpu.sync_copy(rows_a.at[pl.ds(0, _VPW - 7 * _EK)],
                    acc_sh.at[pl.ds(v_base + 7 * _EK, _VPW - 7 * _EK)])

    @pl.when(s == 15)
    def _():
        pltpu.sync_copy(rows_a.at[pl.ds(0, _VTAIL)],
                        acc_sh.at[pl.ds(16 * _VPW, _VTAIL)])

    @pl.when(s < 15)
    def _():
        pltpu.sync_copy(sbuf_v, s_sh.at[pl.ds(s * _SPW, _SPW)])

    @pl.when(s == 15)
    def _():
        pltpu.sync_copy(sbuf_v.at[pl.ds(0, _STAIL)],
                        s_sh.at[pl.ds(15 * _SPW, _STAIL)])

    e_base = s * _EPW
    pltpu.sync_copy(src_hbm.at[pl.ds(e_base, _EPW)], src_all)
    pltpu.sync_copy(dst_hbm.at[pl.ds(e_base, _EPW)], dst_all)

    plsc.subcore_barrier()

    xc = x_hbm.at[c]
    a_base = c * E + e_base

    def gather(j, rows, attrb, sg, st):
        pltpu.async_copy(xc.at[src_all.at[pl.ds(j * _EK, _EK)]], rows, sg)
        pltpu.async_copy(attr_hbm.at[pl.ds(a_base + j * _EK, _EK)], attrb, st)

    def drain(j, rows, attrb, sg, st):
        pltpu.make_async_copy(
            xc.at[src_all.at[pl.ds(j * _EK, _EK)]], rows, sg).wait()
        pltpu.make_async_copy(
            attr_hbm.at[pl.ds(a_base + j * _EK, _EK)], attrb, st).wait()
        dchunk = dst_all.at[pl.ds(j * _EK, _EK)]
        pltpu.sync_copy(rows, acc_sh.at[dchunk], add=True)
        pltpu.sync_copy(attrb, s_sh.at[dchunk], add=True)

    buf_a = (rows_a, attr_a)
    buf_b = (rows_b, attr_b)

    gather(0, *buf_a, sem_ga, sem_ta)

    def step(k, carry):
        ja = 2 * k
        gather(ja + 1, *buf_b, sem_gb, sem_tb)
        drain(ja, *buf_a, sem_ga, sem_ta)
        gather(ja + 2, *buf_a, sem_ga, sem_ta)
        drain(ja + 1, *buf_b, sem_gb, sem_tb)
        return carry

    lax.fori_loop(0, (_STEPS - 1) // 2, step, 0)
    drain(_STEPS - 1, *buf_a, sem_ga, sem_ta)
    plsc.subcore_barrier()

    pltpu.sync_copy(acc_sh.at[pl.ds(v_base, _VPW)],
                    out_hbm.at[c, pl.ds(v_base, _VPW)])

    @pl.when(s == 15)
    def _():
        pltpu.sync_copy(acc_sh.at[pl.ds(16 * _VPW, _VTAIL)],
                        out_hbm.at[c, pl.ds(16 * _VPW, _VTAIL)])

    @pl.when(s < 15)
    def _():
        pltpu.sync_copy(s_sh.at[pl.ds(s * _SPW, _SPW)], sbuf_v)
        pltpu.sync_copy(sbuf_v, sout_hbm.at[pl.ds(c * V + s * _SPW, _SPW)])

    @pl.when(s == 15)
    def _():
        pltpu.sync_copy(s_sh.at[pl.ds(15 * _SPW, _STAIL)],
                        sbuf_v.at[pl.ds(0, _STAIL)])
        pltpu.sync_copy(sbuf_v.at[pl.ds(0, _STAIL)],
                        sout_hbm.at[pl.ds(c * V + 15 * _SPW, _STAIL)])


_sc_scatter = pl.kernel(
    _sc_body,
    out_type=[
        jax.ShapeDtypeStruct((B, V, C), jnp.float32),
        jax.ShapeDtypeStruct((B * V,), jnp.float32),
    ],
    mesh=plsc.VectorSubcoreMesh(core_axis_name="c", subcore_axis_name="s"),
    scratch_types=[
        pltpu.VMEM_SHARED((V, C), jnp.float32),
        pltpu.VMEM_SHARED((V,), jnp.float32),
        pltpu.VMEM((_EPW,), jnp.int32),
        pltpu.VMEM((_EPW,), jnp.int32),
        pltpu.VMEM((_EK, C), jnp.float32),
        pltpu.VMEM((_EK, C), jnp.float32),
        pltpu.VMEM((_EK,), jnp.float32),
        pltpu.VMEM((_EK,), jnp.float32),
        pltpu.VMEM((_SPW,), jnp.float32),
        pltpu.SemaphoreType.DMA,
        pltpu.SemaphoreType.DMA,
        pltpu.SemaphoreType.DMA,
        pltpu.SemaphoreType.DMA,
    ],
)



_BN_BM = 2000
_BN_NB = (B * V) // _BN_BM


def _bn_body(x_ref, a_ref, s_ref, ws_ref, wn_ref, b_ref, wedge_ref,
             gamma_ref, beta_ref, out_ref, stat_ref):
    p = pl.program_id(0)
    i = pl.program_id(1)
    z = (
        jnp.dot(x_ref[...], ws_ref[...], preferred_element_type=jnp.float32)
        + jnp.dot(a_ref[...], wn_ref[...], preferred_element_type=jnp.float32)
        + b_ref[...]
        + s_ref[...] * wedge_ref[...]
    )

    @pl.when(p == 0)
    def _():
        @pl.when(i == 0)
        def _():
            stat_ref[0:2, :] = jnp.zeros((2, C), jnp.float32)

        stat_ref[0:1, :] += jnp.sum(z, axis=0, keepdims=True)
        stat_ref[1:2, :] += jnp.sum(z * z, axis=0, keepdims=True)

    @pl.when(p == 1)
    def _():
        @pl.when(i == 0)
        def _():
            n = jnp.float32(B * V)
            mean = stat_ref[0:1, :] / n
            var = stat_ref[1:2, :] / n - mean * mean
            scale = gamma_ref[...] * lax.rsqrt(var + 1e-5)
            stat_ref[2:3, :] = scale
            stat_ref[3:4, :] = beta_ref[...] - mean * scale

        out_ref[...] = jnp.maximum(z * stat_ref[2:3, :] + stat_ref[3:4, :], 0.0)


def _bn_relu(Xf, Af, S2, W_self, W_node, bias, wedge, gamma, beta):
    n = Xf.shape[0]
    return pl.pallas_call(
        _bn_body,
        grid=(2, _BN_NB),
        in_specs=[
            pl.BlockSpec((_BN_BM, F), lambda p, i: (i, 0)),
            pl.BlockSpec((_BN_BM, C), lambda p, i: (i, 0)),
            pl.BlockSpec((_BN_BM, 1), lambda p, i: (i, 0)),
            pl.BlockSpec((F, C), lambda p, i: (0, 0)),
            pl.BlockSpec((F, C), lambda p, i: (0, 0)),
            pl.BlockSpec((1, C), lambda p, i: (0, 0)),
            pl.BlockSpec((1, C), lambda p, i: (0, 0)),
            pl.BlockSpec((1, C), lambda p, i: (0, 0)),
            pl.BlockSpec((1, C), lambda p, i: (0, 0)),
        ],
        out_specs=pl.BlockSpec((_BN_BM, C), lambda p, i: (i * p, 0)),
        out_shape=jax.ShapeDtypeStruct((n, C), jnp.float32),
        scratch_shapes=[pltpu.VMEM((4, C), jnp.float32)],
    )(Xf, Af, S2, W_self, W_node, bias, wedge, gamma, beta)



@jax.jit
def kernel(X, edge_index, edge_attr, W_node, W_edge, W_self, b_self, gamma, beta):
    src = edge_index[0].astype(jnp.int32)
    dst = edge_index[1].astype(jnp.int32)

    accX, S = _sc_scatter(X, src, dst, edge_attr.reshape(B * E))

    out = _bn_relu(X.reshape(B * V, F), accX.reshape(B * V, C),
                   S.reshape(B * V, 1), W_self, W_node,
                   b_self.reshape(1, C), W_edge.reshape(1, C),
                   gamma.reshape(1, C), beta.reshape(1, C))
    return out.reshape(B, V, C)

# --- scband reference (transcript-rebuilt; emitter-appended) ---
"""Pipeline reference for scband-edge-gcnlayer-39367670235755 (READ-ONLY COPY).

The authoritative reference and input builder live on the scoring server;
editing this copy changes nothing except your own understanding.
"""

import jax, jax.numpy as jnp
import numpy as np


def setup_inputs(seed: int = 0) -> dict:
    key = jax.random.key(seed)
    ks = jax.random.split(key, 9)
    B, V, Fd, E, C = 2, 10000, 128, 160000, 128
    X = jax.random.normal(ks[0], (B, V, Fd), dtype=jnp.float32)
    edge_index = jax.random.randint(ks[1], (2, E), 0, V, dtype=jnp.int64) if jax.config.jax_enable_x64 else jax.random.randint(ks[1], (2, E), 0, V).astype(jnp.int32)
    edge_attr = jax.random.normal(ks[2], (B, E), dtype=jnp.float32)
    # learned parameters (PyTorch Linear weight is (out,in); stored here as (in,out) for x @ W)
    W_node = jax.random.normal(ks[3], (Fd, C), dtype=jnp.float32) * 0.05
    W_edge = jax.random.normal(ks[4], (1, C), dtype=jnp.float32) * 0.05
    W_self = jax.random.normal(ks[5], (Fd, C), dtype=jnp.float32) * 0.05
    b_self = jax.random.normal(ks[6], (C,), dtype=jnp.float32) * 0.05
    gamma = jnp.ones((C,), dtype=jnp.float32)
    beta = jnp.zeros((C,), dtype=jnp.float32)
    return {
        "X": X,
        "edge_index": edge_index,
        "edge_attr": edge_attr,
        "W_node": W_node,
        "W_edge": W_edge,
        "W_self": W_self,
        "b_self": b_self,
        "gamma": gamma,
        "beta": beta,
    }


def reference(X, edge_index, edge_attr, W_node, W_edge, W_self, b_self, gamma, beta):
    # X: (B, V, F); edge_index: (2, E); edge_attr: (B, E)
    src = edge_index[0]
    dst = edge_index[1]
    # self-loop linear
    H = jnp.einsum('bvf,fc->bvc', X, W_self) + b_self
    # per-edge message: W_node(X[:, src]) + W_edge(edge_attr[:, e:e+1])
    node_feat = jnp.take(X, src, axis=1)                      # (B, E, F) gather
    msg = jnp.einsum('bef,fc->bec', node_feat, W_node)
    msg = msg + edge_attr[:, :, None] * W_edge[0][None, None, :]
    # scatter-add messages into dst nodes
    aggregated = jnp.zeros_like(H).at[:, dst, :].add(msg)
    H = H + aggregated
    # BatchNorm1d over channel dim (training mode: batch statistics over B and V)
    mean = jnp.mean(H, axis=(0, 1))
    var = jnp.var(H, axis=(0, 1))
    Hn = (H - mean[None, None, :]) / jnp.sqrt(var[None, None, :] + 1e-5)
    Hn = Hn * gamma[None, None, :] + beta[None, None, :]
    return jax.nn.relu(Hn)

if __name__ == "__main__":
    import jax
    _d = setup_inputs()
    print(jax.jit(kernel)(*tuple(_d.values())))

</pallas_src>

<mosaic_0001>
#map = affine_map<(d0, d1) -> (0, 0, 0)>
#map1 = affine_map<(d0, d1) -> (0)>
module attributes {stable_mosaic.version = 14 : i64} {
  func.func @_sc_body(%arg0: i32, %arg1: i32, %arg2: memref<2x10000x128xf32, #tpu.memory_space<hbm>>, %arg3: memref<160000xi32, #tpu.memory_space<hbm>>, %arg4: memref<160000xi32, #tpu.memory_space<hbm>>, %arg5: memref<320000xf32, #tpu.memory_space<hbm>>, %arg6: memref<2x10000x128xf32, #tpu.memory_space<hbm>>, %arg7: memref<20000xf32, #tpu.memory_space<hbm>>, %arg8: memref<10000x128xf32, #tpu.memory_space<vmem_shared>>, %arg9: memref<10000xf32, #tpu.memory_space<vmem_shared>>, %arg10: memref<10000xi32, #tpu.memory_space<vmem>>, %arg11: memref<10000xi32, #tpu.memory_space<vmem>>, %arg12: memref<80x128xf32, #tpu.memory_space<vmem>>, %arg13: memref<80x128xf32, #tpu.memory_space<vmem>>, %arg14: memref<80xf32, #tpu.memory_space<vmem>>, %arg15: memref<80xf32, #tpu.memory_space<vmem>>, %arg16: memref<640xf32, #tpu.memory_space<vmem>>, %arg17: memref<!tpu.dma_semaphore, #tpu.memory_space<semaphore_mem>>, %arg18: memref<!tpu.dma_semaphore, #tpu.memory_space<semaphore_mem>>, %arg19: memref<!tpu.dma_semaphore, #tpu.memory_space<semaphore_mem>>, %arg20: memref<!tpu.dma_semaphore, #tpu.memory_space<semaphore_mem>>) attributes {dimension_semantics = [#tpu.dimension_semantics<core_parallel>, #tpu.dimension_semantics<subcore_parallel>], iteration_bounds = array<i64: 2, 16>, scalar_prefetch = 0 : i64, scratch_operands = 13 : i64, tpu.core_type = #tpu.core_type<sc_vector_subcore>, window_params = [{transform_indices = #map}, {transform_indices = #map1}, {transform_indices = #map1}, {transform_indices = #map1}, {transform_indices = #map}, {transform_indices = #map1}]} {
    %broadcast_in_dim3A = arith.constant 0.000000e+00 : f32
    %broadcast_in_dim3A_0 = vector.broadcast %broadcast_in_dim3A : f32 to vector<16xf32>
    %scan3A = arith.constant 0 : i32
    %scan3A_1 = arith.constant 0 : i32
    %scan3A_2 = arith.constant 80 : i32
    %scan3A_3 = arith.addi %scan3A_1, %scan3A_2 : i32
    %scan3A_4 = arith.constant 1 : i32
    scf.for %scan3A_243 = %scan3A_1 to %scan3A_3 step %scan3A_4  : i32 {
      %swap3A_244 = arith.index_cast %scan3A_243 : i32 to index
      %swap3A_245 = arith.constant 0 : index
      %swap3A_246 = tpu.vector_load %arg12[%swap3A_244, %swap3A_245] {strides = array<i32>} : memref<80x128xf32, #tpu.memory_space<vmem>>, vector<1x16xf32>,
      %swap3A_247 = vector.shape_cast %swap3A_246 : vector<1x16xf32> to vector<16xf32>
      %swap3A_248 = vector.shape_cast %broadcast_in_dim3A_0 : vector<16xf32> to vector<1x16xf32>
      tpu.vector_store %arg12[%swap3A_244, %swap3A_245], %swap3A_248 {strides = array<i32>} : memref<80x128xf32, #tpu.memory_space<vmem>>, vector<1x16xf32>,
      %swap3A_249 = arith.index_cast %scan3A_243 : i32 to index
      %swap3A_250 = arith.constant 16 : index
      %swap3A_251 = tpu.vector_load %arg12[%swap3A_249, %swap3A_250] {strides = array<i32>} : memref<80x128xf32, #tpu.memory_space<vmem>>, vector<1x16xf32>,
      %swap3A_252 = vector.shape_cast %swap3A_251 : vector<1x16xf32> to vector<16xf32>
      %swap3A_253 = vector.shape_cast %broadcast_in_dim3A_0 : vector<16xf32> to vector<1x16xf32>
      tpu.vector_store %arg12[%swap3A_249, %swap3A_250], %swap3A_253 {strides = array<i32>} : memref<80x128xf32, #tpu.memory_space<vmem>>, vector<1x16xf32>,
      %swap3A_254 = arith.index_cast %scan3A_243 : i32 to index
      %swap3A_255 = arith.constant 32 : index
      %swap3A_256 = tpu.vector_load %arg12[%swap3A_254, %swap3A_255] {strides = array<i32>} : memref<80x128xf32, #tpu.memory_space<vmem>>, vector<1x16xf32>,
      %swap3A_257 = vector.shape_cast %swap3A_256 : vector<1x16xf32> to vector<16xf32>
      %swap3A_258 = vector.shape_cast %broadcast_in_dim3A_0 : vector<16xf32> to vector<1x16xf32>
      tpu.vector_store %arg12[%swap3A_254, %swap3A_255], %swap3A_258 {strides = array<i32>} : memref<80x128xf32, #tpu.memory_space<vmem>>, vector<1x16xf32>,
      %swap3A_259 = arith.index_cast %scan3A_243 : i32 to index
      %swap3A_260 = arith.constant 48 : index
      %swap3A_261 = tpu.vector_load %arg12[%swap3A_259, %swap3A_260] {strides = array<i32>} : memref<80x128xf32, #tpu.memory_space<vmem>>, vector<1x16xf32>,
      %swap3A_262 = vector.shape_cast %swap3A_261 : vector<1x16xf32> to vector<16xf32>
      %swap3A_263 = vector.shape_cast %broadcast_in_dim3A_0 : vector<16xf32> to vector<1x16xf32>
      tpu.vector_store %arg12[%swap3A_259, %swap3A_260], %swap3A_263 {strides = array<i32>} : memref<80x128xf32, #tpu.memory_space<vmem>>, vector<1x16xf32>,
      %swap3A_264 = arith.index_cast %scan3A_243 : i32 to index
      %swap3A_265 = arith.constant 64 : index
      %swap3A_266 = tpu.vector_load %arg12[%swap3A_264, %swap3A_265] {strides = array<i32>} : memref<80x128xf32, #tpu.memory_space<vmem>>, vector<1x16xf32>,
      %swap3A_267 = vector.shape_cast %swap3A_266 : vector<1x16xf32> to vector<16xf32>
      %swap3A_268 = vector.shape_cast %broadcast_in_dim3A_0 : vector<16xf32> to vector<1x16xf32>
      tpu.vector_store %arg12[%swap3A_264, %swap3A_265], %swap3A_268 {strides = array<i32>} : memref<80x128xf32, #tpu.memory_space<vmem>>, vector<1x16xf32>,
      %swap3A_269 = arith.index_cast %scan3A_243 : i32 to index
      %swap3A_270 = arith.constant 80 : index
      %swap3A_271 = tpu.vector_load %arg12[%swap3A_269, %swap3A_270] {strides = array<i32>} : memref<80x128xf32, #tpu.memory_space<vmem>>, vector<1x16xf32>,
      %swap3A_272 = vector.shape_cast %swap3A_271 : vector<1x16xf32> to vector<16xf32>
      %swap3A_273 = vector.shape_cast %broadcast_in_dim3A_0 : vector<16xf32> to vector<1x16xf32>
      tpu.vector_store %arg12[%swap3A_269, %swap3A_270], %swap3A_273 {strides = array<i32>} : memref<80x128xf32, #tpu.memory_space<vmem>>, vector<1x16xf32>,
      %swap3A_274 = arith.index_cast %scan3A_243 : i32 to index
      %swap3A_275 = arith.constant 96 : index
      %swap3A_276 = tpu.vector_load %arg12[%swap3A_274, %swap3A_275] {strides = array<i32>} : memref<80x128xf32, #tpu.memory_space<vmem>>, vector<1x16xf32>,
      %swap3A_277 = vector.shape_cast %swap3A_276 : vector<1x16xf32> to vector<16xf32>
      %swap3A_278 = vector.shape_cast %broadcast_in_dim3A_0 : vector<16xf32> to vector<1x16xf32>
      tpu.vector_store %arg12[%swap3A_274, %swap3A_275], %swap3A_278 {strides = array<i32>} : memref<80x128xf32, #tpu.memory_space<vmem>>, vector<1x16xf32>,
      %swap3A_279 = arith.index_cast %scan3A_243 : i32 to index
      %swap3A_280 = arith.constant 112 : index
      %swap3A_281 = tpu.vector_load %arg12[%swap3A_279, %swap3A_280] {strides = array<i32>} : memref<80x128xf32, #tpu.memory_space<vmem>>, vector<1x16xf32>,
      %swap3A_282 = vector.shape_cast %swap3A_281 : vector<1x16xf32> to vector<16xf32>
      %swap3A_283 = vector.shape_cast %broadcast_in_dim3A_0 : vector<16xf32> to vector<1x16xf32>
      tpu.vector_store %arg12[%swap3A_279, %swap3A_280], %swap3A_283 {strides = array<i32>} : memref<80x128xf32, #tpu.memory_space<vmem>>, vector<1x16xf32>,
    }
    %scan3A_5 = arith.constant 80 : i32
    %swap3A = arith.constant 0 : index
    %swap3A_6 = tpu.vector_load %arg16[%swap3A] {strides = array<i32>} : memref<640xf32, #tpu.memory_space<vmem>>, vector<16xf32>,
    %swap3A_7 = vector.shape_cast %swap3A_6 : vector<16xf32> to vector<16xf32>
    %swap3A_8 = vector.shape_cast %broadcast_in_dim3A_0 : vector<16xf32> to vector<16xf32>
    tpu.vector_store %arg16[%swap3A], %swap3A_8 {strides = array<i32>} : memref<640xf32, #tpu.memory_space<vmem>>, vector<16xf32>,
    %swap3A_9 = arith.constant 16 : index
    %swap3A_10 = tpu.vector_load %arg16[%swap3A_9] {strides = array<i32>} : memref<640xf32, #tpu.memory_space<vmem>>, vector<16xf32>,
    %swap3A_11 = vector.shape_cast %swap3A_10 : vector<16xf32> to vector<16xf32>
    %swap3A_12 = vector.shape_cast %broadcast_in_dim3A_0 : vector<16xf32> to vector<16xf32>
    tpu.vector_store %arg16[%swap3A_9], %swap3A_12 {strides = array<i32>} : memref<640xf32, #tpu.memory_space<vmem>>, vector<16xf32>,
    %swap3A_13 = arith.constant 32 : index
    %swap3A_14 = tpu.vector_load %arg16[%swap3A_13] {strides = array<i32>} : memref<640xf32, #tpu.memory_space<vmem>>, vector<16xf32>,
    %swap3A_15 = vector.shape_cast %swap3A_14 : vector<16xf32> to vector<16xf32>
    %swap3A_16 = vector.shape_cast %broadcast_in_dim3A_0 : vector<16xf32> to vector<16xf32>
    tpu.vector_store %arg16[%swap3A_13], %swap3A_16 {strides = array<i32>} : memref<640xf32, #tpu.memory_space<vmem>>, vector<16xf32>,
    %swap3A_17 = arith.constant 48 : index
    %swap3A_18 = tpu.vector_load %arg16[%swap3A_17] {strides = array<i32>} : memref<640xf32, #tpu.memory_space<vmem>>, vector<16xf32>,
    %swap3A_19 = vector.shape_cast %swap3A_18 : vector<16xf32> to vector<16xf32>
    %swap3A_20 = vector.shape_cast %broadcast_in_dim3A_0 : vector<16xf32> to vector<16xf32>
    tpu.vector_store %arg16[%swap3A_17], %swap3A_20 {strides = array<i32>} : memref<640xf32, #tpu.memory_space<vmem>>, vector<16xf32>,
    %swap3A_21 = arith.constant 64 : index
    %swap3A_22 = tpu.vector_load %arg16[%swap3A_21] {strides = array<i32>} : memref<640xf32, #tpu.memory_space<vmem>>, vector<16xf32>,
    %swap3A_23 = vector.shape_cast %swap3A_22 : vector<16xf32> to vector<16xf32>
    %swap3A_24 = vector.shape_cast %broadcast_in_dim3A_0 : vector<16xf32> to vector<16xf32>
    tpu.vector_store %arg16[%swap3A_21], %swap3A_24 {strides = array<i32>} : memref<640xf32, #tpu.memory_space<vmem>>, vector<16xf32>,
    %swap3A_25 = arith.constant 80 : index
    %swap3A_26 = tpu.vector_load %arg16[%swap3A_25] {strides = array<i32>} : memref<640xf32, #tpu.memory_space<vmem>>, vector<16xf32>,
    %swap3A_27 = vector.shape_cast %swap3A_26 : vector<16xf32> to vector<16xf32>
    %swap3A_28 = vector.shape_cast %broadcast_in_dim3A_0 : vector<16xf32> to vector<16xf32>
    tpu.vector_store %arg16[%swap3A_25], %swap3A_28 {strides = array<i32>} : memref<640xf32, #tpu.memory_space<vmem>>, vector<16xf32>,
    %swap3A_29 = arith.constant 96 : index
    %swap3A_30 = tpu.vector_load %arg16[%swap3A_29] {strides = array<i32>} : memref<640xf32, #tpu.memory_space<vmem>>, vector<16xf32>,
    %swap3A_31 = vector.shape_cast %swap3A_30 : vector<16xf32> to vector<16xf32>
    %swap3A_32 = vector.shape_cast %broadcast_in_dim3A_0 : vector<16xf32> to vector<16xf32>
    tpu.vector_store %arg16[%swap3A_29], %swap3A_32 {strides = array<i32>} : memref<640xf32, #tpu.memory_space<vmem>>, vector<16xf32>,
    %swap3A_33 = arith.constant 112 : index
    %swap3A_34 = tpu.vector_load %arg16[%swap3A_33] {strides = array<i32>} : memref<640xf32, #tpu.memory_space<vmem>>, vector<16xf32>,
    %swap3A_35 = vector.shape_cast %swap3A_34 : vector<16xf32> to vector<16xf32>
    %swap3A_36 = vector.shape_cast %broadcast_in_dim3A_0 : vector<16xf32> to vector<16xf32>
    tpu.vector_store %arg16[%swap3A_33], %swap3A_36 {strides = array<i32>} : memref<640xf32, #tpu.memory_space<vmem>>, vector<16xf32>,
    %swap3A_37 = arith.constant 128 : index
    %swap3A_38 = tpu.vector_load %arg16[%swap3A_37] {strides = array<i32>} : memref<640xf32, #tpu.memory_space<vmem>>, vector<16xf32>,
    %swap3A_39 = vector.shape_cast %swap3A_38 : vector<16xf32> to vector<16xf32>
    %swap3A_40 = vector.shape_cast %broadcast_in_dim3A_0 : vector<16xf32> to vector<16xf32>
    tpu.vector_store %arg16[%swap3A_37], %swap3A_40 {strides = array<i32>} : memref<640xf32, #tpu.memory_space<vmem>>, vector<16xf32>,
    %swap3A_41 = arith.constant 144 : index
    %swap3A_42 = tpu.vector_load %arg16[%swap3A_41] {strides = array<i32>} : memref<640xf32, #tpu.memory_space<vmem>>, vector<16xf32>,
    %swap3A_43 = vector.shape_cast %swap3A_42 : vector<16xf32> to vector<16xf32>
    %swap3A_44 = vector.shape_cast %broadcast_in_dim3A_0 : vector<16xf32> to vector<16xf32>
    tpu.vector_store %arg16[%swap3A_41], %swap3A_44 {strides = array<i32>} : memref<640xf32, #tpu.memory_space<vmem>>, vector<16xf32>,
    %swap3A_45 = arith.constant 160 : index
    %swap3A_46 = tpu.vector_load %arg16[%swap3A_45] {strides = array<i32>} : memref<640xf32, #tpu.memory_space<vmem>>, vector<16xf32>,
    %swap3A_47 = vector.shape_cast %swap3A_46 : vector<16xf32> to vector<16xf32>
    %swap3A_48 = vector.shape_cast %broadcast_in_dim3A_0 : vector<16xf32> to vector<16xf32>
    tpu.vector_store %arg16[%swap3A_45], %swap3A_48 {strides = array<i32>} : memref<640xf32, #tpu.memory_space<vmem>>, vector<16xf32>,
    %swap3A_49 = arith.constant 176 : index
    %swap3A_50 = tpu.vector_load %arg16[%swap3A_49] {strides = array<i32>} : memref<640xf32, #tpu.memory_space<vmem>>, vector<16xf32>,
    %swap3A_51 = vector.shape_cast %swap3A_50 : vector<16xf32> to vector<16xf32>
    %swap3A_52 = vector.shape_cast %broadcast_in_dim3A_0 : vector<16xf32> to vector<16xf32>
    tpu.vector_store %arg16[%swap3A_49], %swap3A_52 {strides = array<i32>} : memref<640xf32, #tpu.memory_space<vmem>>, vector<16xf32>,
    %swap3A_53 = arith.constant 192 : index
    %swap3A_54 = tpu.vector_load %arg16[%swap3A_53] {strides = array<i32>} : memref<640xf32, #tpu.memory_space<vmem>>, vector<16xf32>,
    %swap3A_55 = vector.shape_cast %swap3A_54 : vector<16xf32> to vector<16xf32>
    %swap3A_56 = vector.shape_cast %broadcast_in_dim3A_0 : vector<16xf32> to vector<16xf32>
    tpu.vector_store %arg16[%swap3A_53], %swap3A_56 {strides = array<i32>} : memref<640xf32, #tpu.memory_space<vmem>>, vector<16xf32>,
    %swap3A_57 = arith.constant 208 : index
    %swap3A_58 = tpu.vector_load %arg16[%swap3A_57] {strides = array<i32>} : memref<640xf32, #tpu.memory_space<vmem>>, vector<16xf32>,
    %swap3A_59 = vector.shape_cast %swap3A_58 : vector<16xf32> to vector<16xf32>
    %swap3A_60 = vector.shape_cast %broadcast_in_dim3A_0 : vector<16xf32> to vector<16xf32>
    tpu.vector_store %arg16[%swap3A_57], %swap3A_60 {strides = array<i32>} : memref<640xf32, #tpu.memory_space<vmem>>, vector<16xf32>,
    %swap3A_61 = arith.constant 224 : index
    %swap3A_62 = tpu.vector_load %arg16[%swap3A_61] {strides = array<i32>} : memref<640xf32, #tpu.memory_space<vmem>>, vector<16xf32>,
    %swap3A_63 = vector.shape_cast %swap3A_62 : vector<16xf32> to vector<16xf32>
    %swap3A_64 = vector.shape_cast %broadcast_in_dim3A_0 : vector<16xf32> to vector<16xf32>
    tpu.vector_store %arg16[%swap3A_61], %swap3A_64 {strides = array<i32>} : memref<640xf32, #tpu.memory_space<vmem>>, vector<16xf32>,
    %swap3A_65 = arith.constant 240 : index
    %swap3A_66 = tpu.vector_load %arg16[%swap3A_65] {strides = array<i32>} : memref<640xf32, #tpu.memory_space<vmem>>, vector<16xf32>,
    %swap3A_67 = vector.shape_cast %swap3A_66 : vector<16xf32> to vector<16xf32>
    %swap3A_68 = vector.shape_cast %broadcast_in_dim3A_0 : vector<16xf32> to vector<16xf32>
    tpu.vector_store %arg16[%swap3A_65], %swap3A_68 {strides = array<i32>} : memref<640xf32, #tpu.memory_space<vmem>>, vector<16xf32>,
    %swap3A_69 = arith.constant 256 : index
    %swap3A_70 = tpu.vector_load %arg16[%swap3A_69] {strides = array<i32>} : memref<640xf32, #tpu.memory_space<vmem>>, vector<16xf32>,
    %swap3A_71 = vector.shape_cast %swap3A_70 : vector<16xf32> to vector<16xf32>
    %swap3A_72 = vector.shape_cast %broadcast_in_dim3A_0 : vector<16xf32> to vector<16xf32>
    tpu.vector_store %arg16[%swap3A_69], %swap3A_72 {strides = array<i32>} : memref<640xf32, #tpu.memory_space<vmem>>, vector<16xf32>,
    %swap3A_73 = arith.constant 272 : index
    %swap3A_74 = tpu.vector_load %arg16[%swap3A_73] {strides = array<i32>} : memref<640xf32, #tpu.memory_space<vmem>>, vector<16xf32>,
    %swap3A_75 = vector.shape_cast %swap3A_74 : vector<16xf32> to vector<16xf32>
    %swap3A_76 = vector.shape_cast %broadcast_in_dim3A_0 : vector<16xf32> to vector<16xf32>
    tpu.vector_store %arg16[%swap3A_73], %swap3A_76 {strides = array<i32>} : memref<640xf32, #tpu.memory_space<vmem>>, vector<16xf32>,
    %swap3A_77 = arith.constant 288 : index
    %swap3A_78 = tpu.vector_load %arg16[%swap3A_77] {strides = array<i32>} : memref<640xf32, #tpu.memory_space<vmem>>, vector<16xf32>,
    %swap3A_79 = vector.shape_cast %swap3A_78 : vector<16xf32> to vector<16xf32>
    %swap3A_80 = vector.shape_cast %broadcast_in_dim3A_0 : vector<16xf32> to vector<16xf32>
    tpu.vector_store %arg16[%swap3A_77], %swap3A_80 {strides = array<i32>} : memref<640xf32, #tpu.memory_space<vmem>>, vector<16xf32>,
    %swap3A_81 = arith.constant 304 : index
    %swap3A_82 = tpu.vector_load %arg16[%swap3A_81] {strides = array<i32>} : memref<640xf32, #tpu.memory_space<vmem>>, vector<16xf32>,
    %swap3A_83 = vector.shape_cast %swap3A_82 : vector<16xf32> to vector<16xf32>
    %swap3A_84 = vector.shape_cast %broadcast_in_dim3A_0 : vector<16xf32> to vector<16xf32>
    tpu.vector_store %arg16[%swap3A_81], %swap3A_84 {strides = array<i32>} : memref<640xf32, #tpu.memory_space<vmem>>, vector<16xf32>,
    %swap3A_85 = arith.constant 320 : index
    %swap3A_86 = tpu.vector_load %arg16[%swap3A_85] {strides = array<i32>} : memref<640xf32, #tpu.memory_space<vmem>>, vector<16xf32>,
    %swap3A_87 = vector.shape_cast %swap3A_86 : vector<16xf32> to vector<16xf32>
    %swap3A_88 = vector.shape_cast %broadcast_in_dim3A_0 : vector<16xf32> to vector<16xf32>
    tpu.vector_store %arg16[%swap3A_85], %swap3A_88 {strides = array<i32>} : memref<640xf32, #tpu.memory_space<vmem>>, vector<16xf32>,
    %swap3A_89 = arith.constant 336 : index
    %swap3A_90 = tpu.vector_load %arg16[%swap3A_89] {strides = array<i32>} : memref<640xf32, #tpu.memory_space<vmem>>, vector<16xf32>,
    %swap3A_91 = vector.shape_cast %swap3A_90 : vector<16xf32> to vector<16xf32>
    %swap3A_92 = vector.shape_cast %broadcast_in_dim3A_0 : vector<16xf32> to vector<16xf32>
    tpu.vector_store %arg16[%swap3A_89], %swap3A_92 {strides = array<i32>} : memref<640xf32, #tpu.memory_space<vmem>>, vector<16xf32>,
    %swap3A_93 = arith.constant 352 : index
    %swap3A_94 = tpu.vector_load %arg16[%swap3A_93] {strides = array<i32>} : memref<640xf32, #tpu.memory_space<vmem>>, vector<16xf32>,
    %swap3A_95 = vector.shape_cast %swap3A_94 : vector<16xf32> to vector<16xf32>
    %swap3A_96 = vector.shape_cast %broadcast_in_dim3A_0 : vector<16xf32> to vector<16xf32>
    tpu.vector_store %arg16[%swap3A_93], %swap3A_96 {strides = array<i32>} : memref<640xf32, #tpu.memory_space<vmem>>, vector<16xf32>,
    %swap3A_97 = arith.constant 368 : index
    %swap3A_98 = tpu.vector_load %arg16[%swap3A_97] {strides = array<i32>} : memref<640xf32, #tpu.memory_space<vmem>>, vector<16xf32>,
    %swap3A_99 = vector.shape_cast %swap3A_98 : vector<16xf32> to vector<16xf32>
    %swap3A_100 = vector.shape_cast %broadcast_in_dim3A_0 : vector<16xf32> to vector<16xf32>
    tpu.vector_store %arg16[%swap3A_97], %swap3A_100 {strides = array<i32>} : memref<640xf32, #tpu.memory_space<vmem>>, vector<16xf32>,
    %swap3A_101 = arith.constant 384 : index
    %swap3A_102 = tpu.vector_load %arg16[%swap3A_101] {strides = array<i32>} : memref<640xf32, #tpu.memory_space<vmem>>, vector<16xf32>,
    %swap3A_103 = vector.shape_cast %swap3A_102 : vector<16xf32> to vector<16xf32>
    %swap3A_104 = vector.shape_cast %broadcast_in_dim3A_0 : vector<16xf32> to vector<16xf32>
    tpu.vector_store %arg16[%swap3A_101], %swap3A_104 {strides = array<i32>} : memref<640xf32, #tpu.memory_space<vmem>>, vector<16xf32>,
    %swap3A_105 = arith.constant 400 : index
    %swap3A_106 = tpu.vector_load %arg16[%swap3A_105] {strides = array<i32>} : memref<640xf32, #tpu.memory_space<vmem>>, vector<16xf32>,
    %swap3A_107 = vector.shape_cast %swap3A_106 : vector<16xf32> to vector<16xf32>
    %swap3A_108 = vector.shape_cast %broadcast_in_dim3A_0 : vector<16xf32> to vector<16xf32>
    tpu.vector_store %arg16[%swap3A_105], %swap3A_108 {strides = array<i32>} : memref<640xf32, #tpu.memory_space<vmem>>, vector<16xf32>,
    %swap3A_109 = arith.constant 416 : index
    %swap3A_110 = tpu.vector_load %arg16[%swap3A_109] {strides = array<i32>} : memref<640xf32, #tpu.memory_space<vmem>>, vector<16xf32>,
    %swap3A_111 = vector.shape_cast %swap3A_110 : vector<16xf32> to vector<16xf32>
    %swap3A_112 = vector.shape_cast %broadcast_in_dim3A_0 : vector<16xf32> to vector<16xf32>
    tpu.vector_store %arg16[%swap3A_109], %swap3A_112 {strides = array<i32>} : memref<640xf32, #tpu.memory_space<vmem>>, vector<16xf32>,
    %swap3A_113 = arith.constant 432 : index
    %swap3A_114 = tpu.vector_load %arg16[%swap3A_113] {strides = array<i32>} : memref<640xf32, #tpu.memory_space<vmem>>, vector<16xf32>,
    %swap3A_115 = vector.shape_cast %swap3A_114 : vector<16xf32> to vector<16xf32>
    %swap3A_116 = vector.shape_cast %broadcast_in_dim3A_0 : vector<16xf32> to vector<16xf32>
    tpu.vector_store %arg16[%swap3A_113], %swap3A_116 {strides = array<i32>} : memref<640xf32, #tpu.memory_space<vmem>>, vector<16xf32>,
    %swap3A_117 = arith.constant 448 : index
    %swap3A_118 = tpu.vector_load %arg16[%swap3A_117] {strides = array<i32>} : memref<640xf32, #tpu.memory_space<vmem>>, vector<16xf32>,
    %swap3A_119 = vector.shape_cast %swap3A_118 : vector<16xf32> to vector<16xf32>
    %swap3A_120 = vector.shape_cast %broadcast_in_dim3A_0 : vector<16xf32> to vector<16xf32>
    tpu.vector_store %arg16[%swap3A_117], %swap3A_120 {strides = array<i32>} : memref<640xf32, #tpu.memory_space<vmem>>, vector<16xf32>,
    %swap3A_121 = arith.constant 464 : index
    %swap3A_122 = tpu.vector_load %arg16[%swap3A_121] {strides = array<i32>} : memref<640xf32, #tpu.memory_space<vmem>>, vector<16xf32>,
    %swap3A_123 = vector.shape_cast %swap3A_122 : vector<16xf32> to vector<16xf32>
    %swap3A_124 = vector.shape_cast %broadcast_in_dim3A_0 : vector<16xf32> to vector<16xf32>
    tpu.vector_store %arg16[%swap3A_121], %swap3A_124 {strides = array<i32>} : memref<640xf32, #tpu.memory_space<vmem>>, vector<16xf32>,
    %swap3A_125 = arith.constant 480 : index
    %swap3A_126 = tpu.vector_load %arg16[%swap3A_125] {strides = array<i32>} : memref<640xf32, #tpu.memory_space<vmem>>, vector<16xf32>,
    %swap3A_127 = vector.shape_cast %swap3A_126 : vector<16xf32> to vector<16xf32>
    %swap3A_128 = vector.shape_cast %broadcast_in_dim3A_0 : vector<16xf32> to vector<16xf32>
    tpu.vector_store %arg16[%swap3A_125], %swap3A_128 {strides = array<i32>} : memref<640xf32, #tpu.memory_space<vmem>>, vector<16xf32>,
    %swap3A_129 = arith.constant 496 : index
    %swap3A_130 = tpu.vector_load %arg16[%swap3A_129] {strides = array<i32>} : memref<640xf32, #tpu.memory_space<vmem>>, vector<16xf32>,
    %swap3A_131 = vector.shape_cast %swap3A_130 : vector<16xf32> to vector<16xf32>
    %swap3A_132 = vector.shape_cast %broadcast_in_dim3A_0 : vector<16xf32> to vector<16xf32>
    tpu.vector_store %arg16[%swap3A_129], %swap3A_132 {strides = array<i32>} : memref<640xf32, #tpu.memory_space<vmem>>, vector<16xf32>,
    %swap3A_133 = arith.constant 512 : index
    %swap3A_134 = tpu.vector_load %arg16[%swap3A_133] {strides = array<i32>} : memref<640xf32, #tpu.memory_space<vmem>>, vector<16xf32>,
    %swap3A_135 = vector.shape_cast %swap3A_134 : vector<16xf32> to vector<16xf32>
    %swap3A_136 = vector.shape_cast %broadcast_in_dim3A_0 : vector<16xf32> to vector<16xf32>
    tpu.vector_store %arg16[%swap3A_133], %swap3A_136 {strides = array<i32>} : memref<640xf32, #tpu.memory_space<vmem>>, vector<16xf32>,
    %swap3A_137 = arith.constant 528 : index
    %swap3A_138 = tpu.vector_load %arg16[%swap3A_137] {strides = array<i32>} : memref<640xf32, #tpu.memory_space<vmem>>, vector<16xf32>,
    %swap3A_139 = vector.shape_cast %swap3A_138 : vector<16xf32> to vector<16xf32>
    %swap3A_140 = vector.shape_cast %broadcast_in_dim3A_0 : vector<16xf32> to vector<16xf32>
    tpu.vector_store %arg16[%swap3A_137], %swap3A_140 {strides = array<i32>} : memref<640xf32, #tpu.memory_space<vmem>>, vector<16xf32>,
    %swap3A_141 = arith.constant 544 : index
    %swap3A_142 = tpu.vector_load %arg16[%swap3A_141] {strides = array<i32>} : memref<640xf32, #tpu.memory_space<vmem>>, vector<16xf32>,
    %swap3A_143 = vector.shape_cast %swap3A_142 : vector<16xf32> to vector<16xf32>
    %swap3A_144 = vector.shape_cast %broadcast_in_dim3A_0 : vector<16xf32> to vector<16xf32>
    tpu.vector_store %arg16[%swap3A_141], %swap3A_144 {strides = array<i32>} : memref<640xf32, #tpu.memory_space<vmem>>, vector<16xf32>,
    %swap3A_145 = arith.constant 560 : index
    %swap3A_146 = tpu.vector_load %arg16[%swap3A_145] {strides = array<i32>} : memref<640xf32, #tpu.memory_space<vmem>>, vector<16xf32>,
    %swap3A_147 = vector.shape_cast %swap3A_146 : vector<16xf32> to vector<16xf32>
    %swap3A_148 = vector.shape_cast %broadcast_in_dim3A_0 : vector<16xf32> to vector<16xf32>
    tpu.vector_store %arg16[%swap3A_145], %swap3A_148 {strides = array<i32>} : memref<640xf32, #tpu.memory_space<vmem>>, vector<16xf32>,
    %swap3A_149 = arith.constant 576 : index
    %swap3A_150 = tpu.vector_load %arg16[%swap3A_149] {strides = array<i32>} : memref<640xf32, #tpu.memory_space<vmem>>, vector<16xf32>,
    %swap3A_151 = vector.shape_cast %swap3A_150 : vector<16xf32> to vector<16xf32>
    %swap3A_152 = vector.shape_cast %broadcast_in_dim3A_0 : vector<16xf32> to vector<16xf32>
    tpu.vector_store %arg16[%swap3A_149], %swap3A_152 {strides = array<i32>} : memref<640xf32, #tpu.memory_space<vmem>>, vector<16xf32>,
    %swap3A_153 = arith.constant 592 : index
    %swap3A_154 = tpu.vector_load %arg16[%swap3A_153] {strides = array<i32>} : memref<640xf32, #tpu.memory_space<vmem>>, vector<16xf32>,
    %swap3A_155 = vector.shape_cast %swap3A_154 : vector<16xf32> to vector<16xf32>
    %swap3A_156 = vector.shape_cast %broadcast_in_dim3A_0 : vector<16xf32> to vector<16xf32>
    tpu.vector_store %arg16[%swap3A_153], %swap3A_156 {strides = array<i32>} : memref<640xf32, #tpu.memory_space<vmem>>, vector<16xf32>,
    %swap3A_157 = arith.constant 608 : index
    %swap3A_158 = tpu.vector_load %arg16[%swap3A_157] {strides = array<i32>} : memref<640xf32, #tpu.memory_space<vmem>>, vector<16xf32>,
    %swap3A_159 = vector.shape_cast %swap3A_158 : vector<16xf32> to vector<16xf32>
    %swap3A_160 = vector.shape_cast %broadcast_in_dim3A_0 : vector<16xf32> to vector<16xf32>
    tpu.vector_store %arg16[%swap3A_157], %swap3A_160 {strides = array<i32>} : memref<640xf32, #tpu.memory_space<vmem>>, vector<16xf32>,
    %swap3A_161 = arith.constant 624 : index
    %swap3A_162 = tpu.vector_load %arg16[%swap3A_161] {strides = array<i32>} : memref<640xf32, #tpu.memory_space<vmem>>, vector<16xf32>,
    %swap3A_163 = vector.shape_cast %swap3A_162 : vector<16xf32> to vector<16xf32>
    %swap3A_164 = vector.shape_cast %broadcast_in_dim3A_0 : vector<16xf32> to vector<16xf32>
    tpu.vector_store %arg16[%swap3A_161], %swap3A_164 {strides = array<i32>} : memref<640xf32, #tpu.memory_space<vmem>>, vector<16xf32>,
    %mul3A = arith.constant 624 : i32
    %mul3A_165 = arith.muli %arg1, %mul3A : i32
    %add3A = arith.constant 0 : i32
    %add3A_166 = arith.addi %mul3A_165, %add3A : i32
    "tpu.region"() ({
      %run_scoped3A = tpu.sem_alloc : memref<!tpu.dma_semaphore, #tpu.memory_space<semaphore_mem>>
      %dma_start3A_243 = arith.constant 0 : i32
      %dma_start3A_244 = tpu.memref_slice %arg8[%add3A_166, %dma_start3A_243] : memref<10000x128xf32, #tpu.memory_space<vmem_shared>> -> memref<80x128xf32, #tpu.memory_space<vmem_shared>>
      %dma_start3A_245 = arith.constant 0 : i32
      %dma_start3A_246 = tpu.memref_slice %arg8[%add3A_166, %dma_start3A_245] : memref<10000x128xf32, #tpu.memory_space<vmem_shared>> -> memref<80x128xf32, #tpu.memory_space<vmem_shared>>
      tpu.enqueue_dma source(%arg12 : memref<80x128xf32, #tpu.memory_space<vmem>>) target(%dma_start3A_246 : memref<80x128xf32, #tpu.memory_space<vmem_shared>>) target_semaphore(%run_scoped3A : memref<!tpu.dma_semaphore, #tpu.memory_space<semaphore_mem>>)
      %dma_wait3A_247 = arith.constant 0 : i32
      %dma_wait3A_248 = tpu.memref_slice %arg8[%add3A_166, %dma_wait3A_247] : memref<10000x128xf32, #tpu.memory_space<vmem_shared>> -> memref<80x128xf32, #tpu.memory_space<vmem_shared>>
      %dma_wait3A_249 = arith.constant 0 : i32
      %dma_wait3A_250 = tpu.memref_slice %arg8[%add3A_166, %dma_wait3A_249] : memref<10000x128xf32, #tpu.memory_space<vmem_shared>> -> memref<80x128xf32, #tpu.memory_space<vmem_shared>>
      tpu.wait_dma2 semaphore(%run_scoped3A : memref<!tpu.dma_semaphore, #tpu.memory_space<semaphore_mem>>) src(%arg12 : memref<80x128xf32, #tpu.memory_space<vmem>>) dst(%dma_wait3A_250 : memref<80x128xf32, #tpu.memory_space<vmem_shared>>)
      tpu.yield
    }) : () -> ()
    %add3A_167 = arith.constant 80 : i32
    %add3A_168 = arith.addi %mul3A_165, %add3A_167 : i32
    "tpu.region"() ({
      %run_scoped3A = tpu.sem_alloc : memref<!tpu.dma_semaphore, #tpu.memory_space<semaphore_mem>>
      %dma_start3A_243 = arith.constant 0 : i32
      %dma_start3A_244 = tpu.memref_slice %arg8[%add3A_168, %dma_start3A_243] : memref<10000x128xf32, #tpu.memory_space<vmem_shared>> -> memref<80x128xf32, #tpu.memory_space<vmem_shared>>
      %dma_start3A_245 = arith.constant 0 : i32
      %dma_start3A_246 = tpu.memref_slice %arg8[%add3A_168, %dma_start3A_245] : memref<10000x128xf32, #tpu.memory_space<vmem_shared>> -> memref<80x128xf32, #tpu.memory_space<vmem_shared>>
      tpu.enqueue_dma source(%arg12 : memref<80x128xf32, #tpu.memory_space<vmem>>) target(%dma_start3A_246 : memref<80x128xf32, #tpu.memory_space<vmem_shared>>) target_semaphore(%run_scoped3A : memref<!tpu.dma_semaphore, #tpu.memory_space<semaphore_mem>>)
      %dma_wait3A_247 = arith.constant 0 : i32
      %dma_wait3A_248 = tpu.memref_slice %arg8[%add3A_168, %dma_wait3A_247] : memref<10000x128xf32, #tpu.memory_space<vmem_shared>> -> memref<80x128xf32, #tpu.memory_space<vmem_shared>>
      %dma_wait3A_249 = arith.constant 0 : i32
      %dma_wait3A_250 = tpu.memref_slice %arg8[%add3A_168, %dma_wait3A_249] : memref<10000x128xf32, #tpu.memory_space<vmem_shared>> -> memref<80x128xf32, #tpu.memory_space<vmem_shared>>
      tpu.wait_dma2 semaphore(%run_scoped3A : memref<!tpu.dma_semaphore, #tpu.memory_space<semaphore_mem>>) src(%arg12 : memref<80x128xf32, #tpu.memory_space<vmem>>) dst(%dma_wait3A_250 : memref<80x128xf32, #tpu.memory_space<vmem_shared>>)
      tpu.yield
    }) : () -> ()
    %add3A_169 = arith.constant 160 : i32
    %add3A_170 = arith.addi %mul3A_165, %add3A_169 : i32
    "tpu.region"() ({
      %run_scoped3A = tpu.sem_alloc : memref<!tpu.dma_semaphore, #tpu.memory_space<semaphore_mem>>
      %dma_start3A_243 = arith.constant 0 : i32
      %dma_start3A_244 = tpu.memref_slice %arg8[%add3A_170, %dma_start3A_243] : memref<10000x128xf32, #tpu.memory_space<vmem_shared>> -> memref<80x128xf32, #tpu.memory_space<vmem_shared>>
      %dma_start3A_245 = arith.constant 0 : i32
      %dma_start3A_246 = tpu.memref_slice %arg8[%add3A_170, %dma_start3A_245] : memref<10000x128xf32, #tpu.memory_space<vmem_shared>> -> memref<80x128xf32, #tpu.memory_space<vmem_shared>>
      tpu.enqueue_dma source(%arg12 : memref<80x128xf32, #tpu.memory_space<vmem>>) target(%dma_start3A_246 : memref<80x128xf32, #tpu.memory_space<vmem_shared>>) target_semaphore(%run_scoped3A : memref<!tpu.dma_semaphore, #tpu.memory_space<semaphore_mem>>)
      %dma_wait3A_247 = arith.constant 0 : i32
      %dma_wait3A_248 = tpu.memref_slice %arg8[%add3A_170, %dma_wait3A_247] : memref<10000x128xf32, #tpu.memory_space<vmem_shared>> -> memref<80x128xf32, #tpu.memory_space<vmem_shared>>
      %dma_wait3A_249 = arith.constant 0 : i32
      %dma_wait3A_250 = tpu.memref_slice %arg8[%add3A_170, %dma_wait3A_249] : memref<10000x128xf32, #tpu.memory_space<vmem_shared>> -> memref<80x128xf32, #tpu.memory_space<vmem_shared>>
      tpu.wait_dma2 semaphore(%run_scoped3A : memref<!tpu.dma_semaphore, #tpu.memory_space<semaphore_mem>>) src(%arg12 : memref<80x128xf32, #tpu.memory_space<vmem>>) dst(%dma_wait3A_250 : memref<80x128xf32, #tpu.memory_space<vmem_shared>>)
      tpu.yield
    }) : () -> ()
    %add3A_171 = arith.constant 240 : i32
    %add3A_172 = arith.addi %mul3A_165, %add3A_171 : i32
    "tpu.region"() ({
      %run_scoped3A = tpu.sem_alloc : memref<!tpu.dma_semaphore, #tpu.memory_space<semaphore_mem>>
      %dma_start3A_243 = arith.constant 0 : i32
      %dma_start3A_244 = tpu.memref_slice %arg8[%add3A_172, %dma_start3A_243] : memref<10000x128xf32, #tpu.memory_space<vmem_shared>> -> memref<80x128xf32, #tpu.memory_space<vmem_shared>>
      %dma_start3A_245 = arith.constant 0 : i32
      %dma_start3A_246 = tpu.memref_slice %arg8[%add3A_172, %dma_start3A_245] : memref<10000x128xf32, #tpu.memory_space<vmem_shared>> -> memref<80x128xf32, #tpu.memory_space<vmem_shared>>
      tpu.enqueue_dma source(%arg12 : memref<80x128xf32, #tpu.memory_space<vmem>>) target(%dma_start3A_246 : memref<80x128xf32, #tpu.memory_space<vmem_shared>>) target_semaphore(%run_scoped3A : memref<!tpu.dma_semaphore, #tpu.memory_space<semaphore_mem>>)
      %dma_wait3A_247 = arith.constant 0 : i32
      %dma_wait3A_248 = tpu.memref_slice %arg8[%add3A_172, %dma_wait3A_247] : memref<10000x128xf32, #tpu.memory_space<vmem_shared>> -> memref<80x128xf32, #tpu.memory_space<vmem_shared>>
      %dma_wait3A_249 = arith.constant 0 : i32
      %dma_wait3A_250 = tpu.memref_slice %arg8[%add3A_172, %dma_wait3A_249] : memref<10000x128xf32, #tpu.memory_space<vmem_shared>> -> memref<80x128xf32, #tpu.memory_space<vmem_shared>>
      tpu.wait_dma2 semaphore(%run_scoped3A : memref<!tpu.dma_semaphore, #tpu.memory_space<semaphore_mem>>) src(%arg12 : memref<80x128xf32, #tpu.memory_space<vmem>>) dst(%dma_wait3A_250 : memref<80x128xf32, #tpu.memory_space<vmem_shared>>)
      tpu.yield
    }) : () -> ()
    %add3A_173 = arith.constant 320 : i32
    %add3A_174 = arith.addi %mul3A_165, %add3A_173 : i32
    "tpu.region"() ({
      %run_scoped3A = tpu.sem_alloc : memref<!tpu.dma_semaphore, #tpu.memory_space<semaphore_mem>>
      %dma_start3A_243 = arith.constant 0 : i32
      %dma_start3A_244 = tpu.memref_slice %arg8[%add3A_174, %dma_start3A_243] : memref<10000x128xf32, #tpu.memory_space<vmem_shared>> -> memref<80x128xf32, #tpu.memory_space<vmem_shared>>
      %dma_start3A_245 = arith.constant 0 : i32
      %dma_start3A_246 = tpu.memref_slice %arg8[%add3A_174, %dma_start3A_245] : memref<10000x128xf32, #tpu.memory_space<vmem_shared>> -> memref<80x128xf32, #tpu.memory_space<vmem_shared>>
      tpu.enqueue_dma source(%arg12 : memref<80x128xf32, #tpu.memory_space<vmem>>) target(%dma_start3A_246 : memref<80x128xf32, #tpu.memory_space<vmem_shared>>) target_semaphore(%run_scoped3A : memref<!tpu.dma_semaphore, #tpu.memory_space<semaphore_mem>>)
      %dma_wait3A_247 = arith.constant 0 : i32
      %dma_wait3A_248 = tpu.memref_slice %arg8[%add3A_174, %dma_wait3A_247] : memref<10000x128xf32, #tpu.memory_space<vmem_shared>> -> memref<80x128xf32, #tpu.memory_space<vmem_shared>>
      %dma_wait3A_249 = arith.constant 0 : i32
      %dma_wait3A_250 = tpu.memref_slice %arg8[%add3A_174, %dma_wait3A_249] : memref<10000x128xf32, #tpu.memory_space<vmem_shared>> -> memref<80x128xf32, #tpu.memory_space<vmem_shared>>
      tpu.wait_dma2 semaphore(%run_scoped3A : memref<!tpu.dma_semaphore, #tpu.memory_space<semaphore_mem>>) src(%arg12 : memref<80x128xf32, #tpu.memory_space<vmem>>) dst(%dma_wait3A_250 : memref<80x128xf32, #tpu.memory_space<vmem_shared>>)
      tpu.yield
    }) : () -> ()
    %add3A_175 = arith.constant 400 : i32
    %add3A_176 = arith.addi %mul3A_165, %add3A_175 : i32
    "tpu.region"() ({
      %run_scoped3A = tpu.sem_alloc : memref<!tpu.dma_semaphore, #tpu.memory_space<semaphore_mem>>
      %dma_start3A_243 = arith.constant 0 : i32
      %dma_start3A_244 = tpu.memref_slice %arg8[%add3A_176, %dma_start3A_243] : memref<10000x128xf32, #tpu.memory_space<vmem_shared>> -> memref<80x128xf32, #tpu.memory_space<vmem_shared>>
      %dma_start3A_245 = arith.constant 0 : i32
      %dma_start3A_246 = tpu.memref_slice %arg8[%add3A_176, %dma_start3A_245] : memref<10000x128xf32, #tpu.memory_space<vmem_shared>> -> memref<80x128xf32, #tpu.memory_space<vmem_shared>>
      tpu.enqueue_dma source(%arg12 : memref<80x128xf32, #tpu.memory_space<vmem>>) target(%dma_start3A_246 : memref<80x128xf32, #tpu.memory_space<vmem_shared>>) target_semaphore(%run_scoped3A : memref<!tpu.dma_semaphore, #tpu.memory_space<semaphore_mem>>)
      %dma_wait3A_247 = arith.constant 0 : i32
      %dma_wait3A_248 = tpu.memref_slice %arg8[%add3A_176, %dma_wait3A_247] : memref<10000x128xf32, #tpu.memory_space<vmem_shared>> -> memref<80x128xf32, #tpu.memory_space<vmem_shared>>
      %dma_wait3A_249 = arith.constant 0 : i32
      %dma_wait3A_250 = tpu.memref_slice %arg8[%add3A_176, %dma_wait3A_249] : memref<10000x128xf32, #tpu.memory_space<vmem_shared>> -> memref<80x128xf32, #tpu.memory_space<vmem_shared>>
      tpu.wait_dma2 semaphore(%run_scoped3A : memref<!tpu.dma_semaphore, #tpu.memory_space<semaphore_mem>>) src(%arg12 : memref<80x128xf32, #tpu.memory_space<vmem>>) dst(%dma_wait3A_250 : memref<80x128xf32, #tpu.memory_space<vmem_shared>>)
      tpu.yield
    }) : () -> ()
    %add3A_177 = arith.constant 480 : i32
    %add3A_178 = arith.addi %mul3A_165, %add3A_177 : i32
    "tpu.region"() ({
      %run_scoped3A = tpu.sem_alloc : memref<!tpu.dma_semaphore, #tpu.memory_space<semaphore_mem>>
      %dma_start3A_243 = arith.constant 0 : i32
      %dma_start3A_244 = tpu.memref_slice %arg8[%add3A_178, %dma_start3A_243] : memref<10000x128xf32, #tpu.memory_space<vmem_shared>> -> memref<80x128xf32, #tpu.memory_space<vmem_shared>>
      %dma_start3A_245 = arith.constant 0 : i32
      %dma_start3A_246 = tpu.memref_slice %arg8[%add3A_178, %dma_start3A_245] : memref<10000x128xf32, #tpu.memory_space<vmem_shared>> -> memref<80x128xf32, #tpu.memory_space<vmem_shared>>
      tpu.enqueue_dma source(%arg12 : memref<80x128xf32, #tpu.memory_space<vmem>>) target(%dma_start3A_246 : memref<80x128xf32, #tpu.memory_space<vmem_shared>>) target_semaphore(%run_scoped3A : memref<!tpu.dma_semaphore, #tpu.memory_space<semaphore_mem>>)
      %dma_wait3A_247 = arith.constant 0 : i32
      %dma_wait3A_248 = tpu.memref_slice %arg8[%add3A_178, %dma_wait3A_247] : memref<10000x128xf32, #tpu.memory_space<vmem_shared>> -> memref<80x128xf32, #tpu.memory_space<vmem_shared>>
      %dma_wait3A_249 = arith.constant 0 : i32
      %dma_wait3A_250 = tpu.memref_slice %arg8[%add3A_178, %dma_wait3A_249] : memref<10000x128xf32, #tpu.memory_space<vmem_shared>> -> memref<80x128xf32, #tpu.memory_space<vmem_shared>>
      tpu.wait_dma2 semaphore(%run_scoped3A : memref<!tpu.dma_semaphore, #tpu.memory_space<semaphore_mem>>) src(%arg12 : memref<80x128xf32, #tpu.memory_space<vmem>>) dst(%dma_wait3A_250 : memref<80x128xf32, #tpu.memory_space<vmem_shared>>)
      tpu.yield
    }) : () -> ()
    %add3A_179 = arith.constant 560 : i32
    %add3A_180 = arith.addi %mul3A_165, %add3A_179 : i32
    "tpu.region"() ({
      %run_scoped3A = tpu.sem_alloc : memref<!tpu.dma_semaphore, #tpu.memory_space<semaphore_mem>>
      %dma_start3A_243 = arith.constant 0 : i32
      %dma_start3A_244 = arith.constant 0 : i32
      %dma_start3A_245 = tpu.memref_slice %arg12[%dma_start3A_243, %dma_start3A_244] : memref<80x128xf32, #tpu.memory_space<vmem>> -> memref<64x128xf32, #tpu.memory_space<vmem>>
      %dma_start3A_246 = arith.constant 0 : i32
      %dma_start3A_247 = tpu.memref_slice %arg8[%add3A_180, %dma_start3A_246] : memref<10000x128xf32, #tpu.memory_space<vmem_shared>> -> memref<64x128xf32, #tpu.memory_space<vmem_shared>>
      %dma_start3A_248 = arith.constant 0 : i32
      %dma_start3A_249 = tpu.memref_slice %arg8[%add3A_180, %dma_start3A_248] : memref<10000x128xf32, #tpu.memory_space<vmem_shared>> -> memref<64x128xf32, #tpu.memory_space<vmem_shared>>
      %dma_start3A_250 = arith.constant 0 : i32
      %dma_start3A_251 = arith.constant 0 : i32
      %dma_start3A_252 = tpu.memref_slice %arg12[%dma_start3A_250, %dma_start3A_251] : memref<80x128xf32, #tpu.memory_space<vmem>> -> memref<64x128xf32, #tpu.memory_space<vmem>>
      tpu.enqueue_dma source(%dma_start3A_252 : memref<64x128xf32, #tpu.memory_space<vmem>>) target(%dma_start3A_249 : memref<64x128xf32, #tpu.memory_space<vmem_shared>>) target_semaphore(%run_scoped3A : memref<!tpu.dma_semaphore, #tpu.memory_space<semaphore_mem>>)
      %dma_wait3A_253 = arith.constant 0 : i32
      %dma_wait3A_254 = arith.constant 0 : i32
      %dma_wait3A_255 = tpu.memref_slice %arg12[%dma_wait3A_253, %dma_wait3A_254] : memref<80x128xf32, #tpu.memory_space<vmem>> -> memref<64x128xf32, #tpu.memory_space<vmem>>
      %dma_wait3A_256 = arith.constant 0 : i32
      %dma_wait3A_257 = tpu.memref_slice %arg8[%add3A_180, %dma_wait3A_256] : memref<10000x128xf32, #tpu.memory_space<vmem_shared>> -> memref<64x128xf32, #tpu.memory_space<vmem_shared>>
      %dma_wait3A_258 = arith.constant 0 : i32
      %dma_wait3A_259 = tpu.memref_slice %arg8[%add3A_180, %dma_wait3A_258] : memref<10000x128xf32, #tpu.memory_space<vmem_shared>> -> memref<64x128xf32, #tpu.memory_space<vmem_shared>>
      %dma_wait3A_260 = arith.constant 0 : i32
      %dma_wait3A_261 = arith.constant 0 : i32
      %dma_wait3A_262 = tpu.memref_slice %arg12[%dma_wait3A_260, %dma_wait3A_261] : memref<80x128xf32, #tpu.memory_space<vmem>> -> memref<64x128xf32, #tpu.memory_space<vmem>>
      tpu.wait_dma2 semaphore(%run_scoped3A : memref<!tpu.dma_semaphore, #tpu.memory_space<semaphore_mem>>) src(%dma_wait3A_262 : memref<64x128xf32, #tpu.memory_space<vmem>>) dst(%dma_wait3A_259 : memref<64x128xf32, #tpu.memory_space<vmem_shared>>)
      tpu.yield
    }) : () -> ()
    %eq3A = arith.constant 15 : i32
    %eq3A_181 = arith.cmpi eq, %arg1, %eq3A : i32
    %convert_element_type3A = arith.extui %eq3A_181 : i1 to i32
    %cond3A = arith.constant 0 : i32
    %cond3A_182 = arith.cmpi ne, %convert_element_type3A, %cond3A : i32
    scf.if %cond3A_182 {
      "tpu.region"() ({
        %run_scoped3A = tpu.sem_alloc : memref<!tpu.dma_semaphore, #tpu.memory_space<semaphore_mem>>
        %dma_start3A_243 = arith.constant 0 : i32
        %dma_start3A_244 = arith.constant 0 : i32
        %dma_start3A_245 = tpu.memref_slice %arg12[%dma_start3A_243, %dma_start3A_244] : memref<80x128xf32, #tpu.memory_space<vmem>> -> memref<16x128xf32, #tpu.memory_space<vmem>>
        %dma_start3A_246 = arith.constant 9984 : i32
        %dma_start3A_247 = arith.constant 0 : i32
        %dma_start3A_248 = tpu.memref_slice %arg8[%dma_start3A_246, %dma_start3A_247] : memref<10000x128xf32, #tpu.memory_space<vmem_shared>> -> memref<16x128xf32, #tpu.memory_space<vmem_shared>>
        %dma_start3A_249 = arith.constant 9984 : i32
        %dma_start3A_250 = arith.constant 0 : i32
        %dma_start3A_251 = tpu.memref_slice %arg8[%dma_start3A_249, %dma_start3A_250] : memref<10000x128xf32, #tpu.memory_space<vmem_shared>> -> memref<16x128xf32, #tpu.memory_space<vmem_shared>>
        %dma_start3A_252 = arith.constant 0 : i32
        %dma_start3A_253 = arith.constant 0 : i32
        %dma_start3A_254 = tpu.memref_slice %arg12[%dma_start3A_252, %dma_start3A_253] : memref<80x128xf32, #tpu.memory_space<vmem>> -> memref<16x128xf32, #tpu.memory_space<vmem>>
        tpu.enqueue_dma source(%dma_start3A_254 : memref<16x128xf32, #tpu.memory_space<vmem>>) target(%dma_start3A_251 : memref<16x128xf32, #tpu.memory_space<vmem_shared>>) target_semaphore(%run_scoped3A : memref<!tpu.dma_semaphore, #tpu.memory_space<semaphore_mem>>)
        %dma_wait3A_255 = arith.constant 0 : i32
        %dma_wait3A_256 = arith.constant 0 : i32
        %dma_wait3A_257 = tpu.memref_slice %arg12[%dma_wait3A_255, %dma_wait3A_256] : memref<80x128xf32, #tpu.memory_space<vmem>> -> memref<16x128xf32, #tpu.memory_space<vmem>>
        %dma_wait3A_258 = arith.constant 9984 : i32
        %dma_wait3A_259 = arith.constant 0 : i32
        %dma_wait3A_260 = tpu.memref_slice %arg8[%dma_wait3A_258, %dma_wait3A_259] : memref<10000x128xf32, #tpu.memory_space<vmem_shared>> -> memref<16x128xf32, #tpu.memory_space<vmem_shared>>
        %dma_wait3A_261 = arith.constant 9984 : i32
        %dma_wait3A_262 = arith.constant 0 : i32
        %dma_wait3A_263 = tpu.memref_slice %arg8[%dma_wait3A_261, %dma_wait3A_262] : memref<10000x128xf32, #tpu.memory_space<vmem_shared>> -> memref<16x128xf32, #tpu.memory_space<vmem_shared>>
        %dma_wait3A_264 = arith.constant 0 : i32
        %dma_wait3A_265 = arith.constant 0 : i32
        %dma_wait3A_266 = tpu.memref_slice %arg12[%dma_wait3A_264, %dma_wait3A_265] : memref<80x128xf32, #tpu.memory_space<vmem>> -> memref<16x128xf32, #tpu.memory_space<vmem>>
        tpu.wait_dma2 semaphore(%run_scoped3A : memref<!tpu.dma_semaphore, #tpu.memory_space<semaphore_mem>>) src(%dma_wait3A_266 : memref<16x128xf32, #tpu.memory_space<vmem>>) dst(%dma_wait3A_263 : memref<16x128xf32, #tpu.memory_space<vmem_shared>>)
        tpu.yield
      }) : () -> ()
    } else {
    }
    %lt3A = arith.constant 15 : i32
    %lt3A_183 = arith.cmpi slt, %arg1, %lt3A : i32
    %convert_element_type3A_184 = arith.extui %lt3A_183 : i1 to i32
    %cond3A_185 = arith.constant 0 : i32
    %cond3A_186 = arith.cmpi ne, %convert_element_type3A_184, %cond3A_185 : i32
    scf.if %cond3A_186 {
      %mul3A_243 = arith.constant 640 : i32
      %mul3A_244 = arith.muli %arg1, %mul3A_243 : i32
      "tpu.region"() ({
        %run_scoped3A = tpu.sem_alloc : memref<!tpu.dma_semaphore, #tpu.memory_space<semaphore_mem>>
        %dma_start3A_245 = tpu.memref_slice %arg9[%mul3A_244] : memref<10000xf32, #tpu.memory_space<vmem_shared>> -> memref<640xf32, #tpu.memory_space<vmem_shared>>
        %dma_start3A_246 = tpu.memref_slice %arg9[%mul3A_244] : memref<10000xf32, #tpu.memory_space<vmem_shared>> -> memref<640xf32, #tpu.memory_space<vmem_shared>>
        tpu.enqueue_dma source(%arg16 : memref<640xf32, #tpu.memory_space<vmem>>) target(%dma_start3A_246 : memref<640xf32, #tpu.memory_space<vmem_shared>>) target_semaphore(%run_scoped3A : memref<!tpu.dma_semaphore, #tpu.memory_space<semaphore_mem>>)
        %dma_wait3A_247 = tpu.memref_slice %arg9[%mul3A_244] : memref<10000xf32, #tpu.memory_space<vmem_shared>> -> memref<640xf32, #tpu.memory_space<vmem_shared>>
        %dma_wait3A_248 = tpu.memref_slice %arg9[%mul3A_244] : memref<10000xf32, #tpu.memory_space<vmem_shared>> -> memref<640xf32, #tpu.memory_space<vmem_shared>>
        tpu.wait_dma2 semaphore(%run_scoped3A : memref<!tpu.dma_semaphore, #tpu.memory_space<semaphore_mem>>) src(%arg16 : memref<640xf32, #tpu.memory_space<vmem>>) dst(%dma_wait3A_248 : memref<640xf32, #tpu.memory_space<vmem_shared>>)
        tpu.yield
      }) : () -> ()
    } else {
    }
    %eq3A_187 = arith.constant 15 : i32
    %eq3A_188 = arith.cmpi eq, %arg1, %eq3A_187 : i32
    %convert_element_type3A_189 = arith.extui %eq3A_188 : i1 to i32
    %cond3A_190 = arith.constant 0 : i32
    %cond3A_191 = arith.cmpi ne, %convert_element_type3A_189, %cond3A_190 : i32
    scf.if %cond3A_191 {
      "tpu.region"() ({
        %run_scoped3A = tpu.sem_alloc : memref<!tpu.dma_semaphore, #tpu.memory_space<semaphore_mem>>
        %dma_start3A_243 = arith.constant 0 : i32
        %dma_start3A_244 = tpu.memref_slice %arg16[%dma_start3A_243] : memref<640xf32, #tpu.memory_space<vmem>> -> memref<400xf32, #tpu.memory_space<vmem>>
        %dma_start3A_245 = arith.constant 9600 : i32
        %dma_start3A_246 = tpu.memref_slice %arg9[%dma_start3A_245] : memref<10000xf32, #tpu.memory_space<vmem_shared>> -> memref<400xf32, #tpu.memory_space<vmem_shared>>
        %dma_start3A_247 = arith.constant 9600 : i32
        %dma_start3A_248 = tpu.memref_slice %arg9[%dma_start3A_247] : memref<10000xf32, #tpu.memory_space<vmem_shared>> -> memref<400xf32, #tpu.memory_space<vmem_shared>>
        %dma_start3A_249 = arith.constant 0 : i32
        %dma_start3A_250 = tpu.memref_slice %arg16[%dma_start3A_249] : memref<640xf32, #tpu.memory_space<vmem>> -> memref<400xf32, #tpu.memory_space<vmem>>
        tpu.enqueue_dma source(%dma_start3A_250 : memref<400xf32, #tpu.memory_space<vmem>>) target(%dma_start3A_248 : memref<400xf32, #tpu.memory_space<vmem_shared>>) target_semaphore(%run_scoped3A : memref<!tpu.dma_semaphore, #tpu.memory_space<semaphore_mem>>)
        %dma_wait3A_251 = arith.constant 0 : i32
        %dma_wait3A_252 = tpu.memref_slice %arg16[%dma_wait3A_251] : memref<640xf32, #tpu.memory_space<vmem>> -> memref<400xf32, #tpu.memory_space<vmem>>
        %dma_wait3A_253 = arith.constant 9600 : i32
        %dma_wait3A_254 = tpu.memref_slice %arg9[%dma_wait3A_253] : memref<10000xf32, #tpu.memory_space<vmem_shared>> -> memref<400xf32, #tpu.memory_space<vmem_shared>>
        %dma_wait3A_255 = arith.constant 9600 : i32
        %dma_wait3A_256 = tpu.memref_slice %arg9[%dma_wait3A_255] : memref<10000xf32, #tpu.memory_space<vmem_shared>> -> memref<400xf32, #tpu.memory_space<vmem_shared>>
        %dma_wait3A_257 = arith.constant 0 : i32
        %dma_wait3A_258 = tpu.memref_slice %arg16[%dma_wait3A_257] : memref<640xf32, #tpu.memory_space<vmem>> -> memref<400xf32, #tpu.memory_space<vmem>>
        tpu.wait_dma2 semaphore(%run_scoped3A : memref<!tpu.dma_semaphore, #tpu.memory_space<semaphore_mem>>) src(%dma_wait3A_258 : memref<400xf32, #tpu.memory_space<vmem>>) dst(%dma_wait3A_256 : memref<400xf32, #tpu.memory_space<vmem_shared>>)
        tpu.yield
      }) : () -> ()
    } else {
    }
    %mul3A_192 = arith.constant 10000 : i32
    %mul3A_193 = arith.muli %arg1, %mul3A_192 : i32
    "tpu.region"() ({
      %run_scoped3A = tpu.sem_alloc : memref<!tpu.dma_semaphore, #tpu.memory_space<semaphore_mem>>
      %dma_start3A_243 = tpu.memref_slice %arg3[%mul3A_193] : memref<160000xi32, #tpu.memory_space<hbm>> -> memref<10000xi32, #tpu.memory_space<hbm>>
      %dma_start3A_244 = tpu.memref_slice %arg3[%mul3A_193] : memref<160000xi32, #tpu.memory_space<hbm>> -> memref<10000xi32, #tpu.memory_space<hbm>>
      tpu.enqueue_dma source(%dma_start3A_244 : memref<10000xi32, #tpu.memory_space<hbm>>) target(%arg10 : memref<10000xi32, #tpu.memory_space<vmem>>) target_semaphore(%run_scoped3A : memref<!tpu.dma_semaphore, #tpu.memory_space<semaphore_mem>>)
      %dma_wait3A_245 = tpu.memref_slice %arg3[%mul3A_193] : memref<160000xi32, #tpu.memory_space<hbm>> -> memref<10000xi32, #tpu.memory_space<hbm>>
      %dma_wait3A_246 = tpu.memref_slice %arg3[%mul3A_193] : memref<160000xi32, #tpu.memory_space<hbm>> -> memref<10000xi32, #tpu.memory_space<hbm>>
      tpu.wait_dma2 semaphore(%run_scoped3A : memref<!tpu.dma_semaphore, #tpu.memory_space<semaphore_mem>>) src(%dma_wait3A_246 : memref<10000xi32, #tpu.memory_space<hbm>>) dst(%arg10 : memref<10000xi32, #tpu.memory_space<vmem>>)
      tpu.yield
    }) : () -> ()
    "tpu.region"() ({
      %run_scoped3A = tpu.sem_alloc : memref<!tpu.dma_semaphore, #tpu.memory_space<semaphore_mem>>
      %dma_start3A_243 = tpu.memref_slice %arg4[%mul3A_193] : memref<160000xi32, #tpu.memory_space<hbm>> -> memref<10000xi32, #tpu.memory_space<hbm>>
      %dma_start3A_244 = tpu.memref_slice %arg4[%mul3A_193] : memref<160000xi32, #tpu.memory_space<hbm>> -> memref<10000xi32, #tpu.memory_space<hbm>>
      tpu.enqueue_dma source(%dma_start3A_244 : memref<10000xi32, #tpu.memory_space<hbm>>) target(%arg11 : memref<10000xi32, #tpu.memory_space<vmem>>) target_semaphore(%run_scoped3A : memref<!tpu.dma_semaphore, #tpu.memory_space<semaphore_mem>>)
      %dma_wait3A_245 = tpu.memref_slice %arg4[%mul3A_193] : memref<160000xi32, #tpu.memory_space<hbm>> -> memref<10000xi32, #tpu.memory_space<hbm>>
      %dma_wait3A_246 = tpu.memref_slice %arg4[%mul3A_193] : memref<160000xi32, #tpu.memory_space<hbm>> -> memref<10000xi32, #tpu.memory_space<hbm>>
      tpu.wait_dma2 semaphore(%run_scoped3A : memref<!tpu.dma_semaphore, #tpu.memory_space<semaphore_mem>>) src(%dma_wait3A_246 : memref<10000xi32, #tpu.memory_space<hbm>>) dst(%arg11 : memref<10000xi32, #tpu.memory_space<vmem>>)
      tpu.yield
    }) : () -> ()
    %barrier3A = arith.constant 0 : index
    tpu.barrier barrier_id(%barrier3A)
    %mul3A_194 = arith.constant 160000 : i32
    %mul3A_195 = arith.muli %arg0, %mul3A_194 : i32
    %add3A_196 = arith.addi %mul3A_195, %mul3A_193 : i32
    %dma_start3A = arith.constant 0 : i32
    %dma_start3A_197 = tpu.memref_slice %arg10[%dma_start3A] : memref<10000xi32, #tpu.memory_space<vmem>> -> memref<80xi32, #tpu.memory_space<vmem>>
    %dma_start3A_198 = arith.constant 0 : i32
    %dma_start3A_199 = arith.constant 0 : i32
    %dma_start3A_200 = tpu.memref_slice %arg2[%arg0, %dma_start3A_198, %dma_start3A_199] : memref<2x10000x128xf32, #tpu.memory_space<hbm>> -> memref<1x10000x128xf32, #tpu.memory_space<hbm>>
    %dma_start3A_201 = tpu.memref_squeeze %dma_start3A_200 : memref<1x10000x128xf32, #tpu.memory_space<hbm>> -> memref<10000x128xf32, #tpu.memory_space<hbm>>
    %dma_start3A_202 = arith.constant 0 : i32
    %dma_start3A_203 = arith.constant 0 : i32
    %dma_start3A_204 = tpu.memref_slice %dma_start3A_201[%dma_start3A_202, %dma_start3A_203] : memref<10000x128xf32, #tpu.memory_space<hbm>> -> memref<10000x128xf32, #tpu.memory_space<hbm>>
    tpu.enqueue_indirect_dma source(%dma_start3A_204 : memref<10000x128xf32, #tpu.memory_space<hbm>>) target(%arg12 : memref<80x128xf32, #tpu.memory_space<vmem>>) offsets(%dma_start3A_197 : memref<80xi32, #tpu.memory_space<vmem>>) semaphore(%arg17 : memref<!tpu.dma_semaphore, #tpu.memory_space<semaphore_mem>>)
    %add3A_205 = arith.constant 0 : i32
    %add3A_206 = arith.addi %add3A_196, %add3A_205 : i32
    %dma_start3A_207 = tpu.memref_slice %arg5[%add3A_206] : memref<320000xf32, #tpu.memory_space<hbm>> -> memref<80xf32, #tpu.memory_space<hbm>>
    %dma_start3A_208 = tpu.memref_slice %arg5[%add3A_206] : memref<320000xf32, #tpu.memory_space<hbm>> -> memref<80xf32, #tpu.memory_space<hbm>>
    tpu.enqueue_dma source(%dma_start3A_208 : memref<80xf32, #tpu.memory_space<hbm>>) target(%arg14 : memref<80xf32, #tpu.memory_space<vmem>>) target_semaphore(%arg19 : memref<!tpu.dma_semaphore, #tpu.memory_space<semaphore_mem>>)
    %scan3A_209 = arith.constant 0 : i32
    %scan3A_210 = arith.constant 0 : i32
    %scan3A_211 = arith.constant 62 : i32
    %scan3A_212 = arith.addi %scan3A_210, %scan3A_211 : i32
    %scan3A_213 = arith.constant 1 : i32
    scf.for %scan3A_243 = %scan3A_210 to %scan3A_212 step %scan3A_213  : i32 {
      %mul3A_244 = arith.constant 2 : i32
      %mul3A_245 = arith.muli %mul3A_244, %scan3A_243 : i32
      %add3A_246 = arith.constant 1 : i32
      %add3A_247 = arith.addi %mul3A_245, %add3A_246 : i32
      %mul3A_248 = arith.constant 80 : i32
      %mul3A_249 = arith.muli %add3A_247, %mul3A_248 : i32
      %dma_start3A_250 = tpu.memref_slice %arg10[%mul3A_249] : memref<10000xi32, #tpu.memory_space<vmem>> -> memref<80xi32, #tpu.memory_space<vmem>>
      %dma_start3A_251 = arith.constant 0 : i32
      %dma_start3A_252 = arith.constant 0 : i32
      %dma_start3A_253 = tpu.memref_slice %arg2[%arg0, %dma_start3A_251, %dma_start3A_252] : memref<2x10000x128xf32, #tpu.memory_space<hbm>> -> memref<1x10000x128xf32, #tpu.memory_space<hbm>>
      %dma_start3A_254 = tpu.memref_squeeze %dma_start3A_253 : memref<1x10000x128xf32, #tpu.memory_space<hbm>> -> memref<10000x128xf32, #tpu.memory_space<hbm>>
      %dma_start3A_255 = arith.constant 0 : i32
      %dma_start3A_256 = arith.constant 0 : i32
      %dma_start3A_257 = tpu.memref_slice %dma_start3A_254[%dma_start3A_255, %dma_start3A_256] : memref<10000x128xf32, #tpu.memory_space<hbm>> -> memref<10000x128xf32, #tpu.memory_space<hbm>>
      tpu.enqueue_indirect_dma source(%dma_start3A_257 : memref<10000x128xf32, #tpu.memory_space<hbm>>) target(%arg13 : memref<80x128xf32, #tpu.memory_space<vmem>>) offsets(%dma_start3A_250 : memref<80xi32, #tpu.memory_space<vmem>>) semaphore(%arg18 : memref<!tpu.dma_semaphore, #tpu.memory_space<semaphore_mem>>)
      %mul3A_258 = arith.constant 80 : i32
      %mul3A_259 = arith.muli %add3A_247, %mul3A_258 : i32
      %add3A_260 = arith.addi %add3A_196, %mul3A_259 : i32
      %dma_start3A_261 = tpu.memref_slice %arg5[%add3A_260] : memref<320000xf32, #tpu.memory_space<hbm>> -> memref<80xf32, #tpu.memory_space<hbm>>
      %dma_start3A_262 = tpu.memref_slice %arg5[%add3A_260] : memref<320000xf32, #tpu.memory_space<hbm>> -> memref<80xf32, #tpu.memory_space<hbm>>
      tpu.enqueue_dma source(%dma_start3A_262 : memref<80xf32, #tpu.memory_space<hbm>>) target(%arg15 : memref<80xf32, #tpu.memory_space<vmem>>) target_semaphore(%arg20 : memref<!tpu.dma_semaphore, #tpu.memory_space<semaphore_mem>>)
      %mul3A_263 = arith.constant 80 : i32
      %mul3A_264 = arith.muli %mul3A_245, %mul3A_263 : i32
      %dma_wait3A_265 = tpu.memref_slice %arg10[%mul3A_264] : memref<10000xi32, #tpu.memory_space<vmem>> -> memref<80xi32, #tpu.memory_space<vmem>>
      %dma_wait3A_266 = arith.constant 0 : i32
      %dma_wait3A_267 = arith.constant 0 : i32
      %dma_wait3A_268 = tpu.memref_slice %arg2[%arg0, %dma_wait3A_266, %dma_wait3A_267] : memref<2x10000x128xf32, #tpu.memory_space<hbm>> -> memref<1x10000x128xf32, #tpu.memory_space<hbm>>
      %dma_wait3A_269 = tpu.memref_squeeze %dma_wait3A_268 : memref<1x10000x128xf32, #tpu.memory_space<hbm>> -> memref<10000x128xf32, #tpu.memory_space<hbm>>
      %dma_wait3A_270 = arith.constant 0 : i32
      %dma_wait3A_271 = arith.constant 0 : i32
      %dma_wait3A_272 = tpu.memref_slice %dma_wait3A_269[%dma_wait3A_270, %dma_wait3A_271] : memref<10000x128xf32, #tpu.memory_space<hbm>> -> memref<10000x128xf32, #tpu.memory_space<hbm>>
      tpu.wait_indirect_dma semaphore(%arg17 : memref<!tpu.dma_semaphore, #tpu.memory_space<semaphore_mem>>) src(%dma_wait3A_272 : memref<10000x128xf32, #tpu.memory_space<hbm>>) dst(%arg12 : memref<80x128xf32, #tpu.memory_space<vmem>>)
      %mul3A_273 = arith.constant 80 : i32
      %mul3A_274 = arith.muli %mul3A_245, %mul3A_273 : i32
      %add3A_275 = arith.addi %add3A_196, %mul3A_274 : i32
      %dma_wait3A_276 = tpu.memref_slice %arg5[%add3A_275] : memref<320000xf32, #tpu.memory_space<hbm>> -> memref<80xf32, #tpu.memory_space<hbm>>
      %dma_wait3A_277 = tpu.memref_slice %arg5[%add3A_275] : memref<320000xf32, #tpu.memory_space<hbm>> -> memref<80xf32, #tpu.memory_space<hbm>>
      tpu.wait_dma2 semaphore(%arg19 : memref<!tpu.dma_semaphore, #tpu.memory_space<semaphore_mem>>) src(%dma_wait3A_277 : memref<80xf32, #tpu.memory_space<hbm>>) dst(%arg14 : memref<80xf32, #tpu.memory_space<vmem>>)
      %mul3A_278 = arith.constant 80 : i32
      %mul3A_279 = arith.muli %mul3A_245, %mul3A_278 : i32
      "tpu.region"() ({
        %run_scoped3A = tpu.sem_alloc : memref<!tpu.dma_semaphore, #tpu.memory_space<semaphore_mem>>
        %dma_start3A_316 = tpu.memref_slice %arg11[%mul3A_279] : memref<10000xi32, #tpu.memory_space<vmem>> -> memref<80xi32, #tpu.memory_space<vmem>>
        %dma_start3A_317 = arith.constant 0 : i32
        %dma_start3A_318 = arith.constant 0 : i32
        %dma_start3A_319 = tpu.memref_slice %arg8[%dma_start3A_317, %dma_start3A_318] : memref<10000x128xf32, #tpu.memory_space<vmem_shared>> -> memref<10000x128xf32, #tpu.memory_space<vmem_shared>>
        tpu.enqueue_indirect_dma source(%arg12 : memref<80x128xf32, #tpu.memory_space<vmem>>) target(%dma_start3A_319 : memref<10000x128xf32, #tpu.memory_space<vmem_shared>>) offsets(%dma_start3A_316 : memref<80xi32, #tpu.memory_space<vmem>>) semaphore(%run_scoped3A : memref<!tpu.dma_semaphore, #tpu.memory_space<semaphore_mem>>) {add = true}
        %dma_wait3A_320 = tpu.memref_slice %arg11[%mul3A_279] : memref<10000xi32, #tpu.memory_space<vmem>> -> memref<80xi32, #tpu.memory_space<vmem>>
        %dma_wait3A_321 = arith.constant 0 : i32
        %dma_wait3A_322 = arith.constant 0 : i32
        %dma_wait3A_323 = tpu.memref_slice %arg8[%dma_wait3A_321, %dma_wait3A_322] : memref<10000x128xf32, #tpu.memory_space<vmem_shared>> -> memref<10000x128xf32, #tpu.memory_space<vmem_shared>>
        tpu.wait_indirect_dma semaphore(%run_scoped3A : memref<!tpu.dma_semaphore, #tpu.memory_space<semaphore_mem>>) src(%arg12 : memref<80x128xf32, #tpu.memory_space<vmem>>) dst(%dma_wait3A_323 : memref<10000x128xf32, #tpu.memory_space<vmem_shared>>)
        tpu.yield
      }) : () -> ()
      "tpu.region"() ({
        %run_scoped3A = tpu.sem_alloc : memref<!tpu.dma_semaphore, #tpu.memory_space<semaphore_mem>>
        %dma_start3A_316 = tpu.memref_slice %arg11[%mul3A_279] : memref<10000xi32, #tpu.memory_space<vmem>> -> memref<80xi32, #tpu.memory_space<vmem>>
        %dma_start3A_317 = arith.constant 0 : i32
        %dma_start3A_318 = tpu.memref_slice %arg9[%dma_start3A_317] : memref<10000xf32, #tpu.memory_space<vmem_shared>> -> memref<10000xf32, #tpu.memory_space<vmem_shared>>
        tpu.enqueue_indirect_dma source(%arg14 : memref<80xf32, #tpu.memory_space<vmem>>) target(%dma_start3A_318 : memref<10000xf32, #tpu.memory_space<vmem_shared>>) offsets(%dma_start3A_316 : memref<80xi32, #tpu.memory_space<vmem>>) semaphore(%run_scoped3A : memref<!tpu.dma_semaphore, #tpu.memory_space<semaphore_mem>>) {add = true}
        %dma_wait3A_319 = tpu.memref_slice %arg11[%mul3A_279] : memref<10000xi32, #tpu.memory_space<vmem>> -> memref<80xi32, #tpu.memory_space<vmem>>
        %dma_wait3A_320 = arith.constant 0 : i32
        %dma_wait3A_321 = tpu.memref_slice %arg9[%dma_wait3A_320] : memref<10000xf32, #tpu.memory_space<vmem_shared>> -> memref<10000xf32, #tpu.memory_space<vmem_shared>>
        tpu.wait_indirect_dma semaphore(%run_scoped3A : memref<!tpu.dma_semaphore, #tpu.memory_space<semaphore_mem>>) src(%arg14 : memref<80xf32, #tpu.memory_space<vmem>>) dst(%dma_wait3A_321 : memref<10000xf32, #tpu.memory_space<vmem_shared>>)
        tpu.yield
      }) : () -> ()
      %add3A_280 = arith.constant 2 : i32
      %add3A_281 = arith.addi %mul3A_245, %add3A_280 : i32
      %mul3A_282 = arith.constant 80 : i32
      %mul3A_283 = arith.muli %add3A_281, %mul3A_282 : i32
      %dma_start3A_284 = tpu.memref_slice %arg10[%mul3A_283] : memref<10000xi32, #tpu.memory_space<vmem>> -> memref<80xi32, #tpu.memory_space<vmem>>
      %dma_start3A_285 = arith.constant 0 : i32
      %dma_start3A_286 = arith.constant 0 : i32
      %dma_start3A_287 = tpu.memref_slice %arg2[%arg0, %dma_start3A_285, %dma_start3A_286] : memref<2x10000x128xf32, #tpu.memory_space<hbm>> -> memref<1x10000x128xf32, #tpu.memory_space<hbm>>
      %dma_start3A_288 = tpu.memref_squeeze %dma_start3A_287 : memref<1x10000x128xf32, #tpu.memory_space<hbm>> -> memref<10000x128xf32, #tpu.memory_space<hbm>>
      %dma_start3A_289 = arith.constant 0 : i32
      %dma_start3A_290 = arith.constant 0 : i32
      %dma_start3A_291 = tpu.memref_slice %dma_start3A_288[%dma_start3A_289, %dma_start3A_290] : memref<10000x128xf32, #tpu.memory_space<hbm>> -> memref<10000x128xf32, #tpu.memory_space<hbm>>
      tpu.enqueue_indirect_dma source(%dma_start3A_291 : memref<10000x128xf32, #tpu.memory_space<hbm>>) target(%arg12 : memref<80x128xf32, #tpu.memory_space<vmem>>) offsets(%dma_start3A_284 : memref<80xi32, #tpu.memory_space<vmem>>) semaphore(%arg17 : memref<!tpu.dma_semaphore, #tpu.memory_space<semaphore_mem>>)
      %mul3A_292 = arith.constant 80 : i32
      %mul3A_293 = arith.muli %add3A_281, %mul3A_292 : i32
      %add3A_294 = arith.addi %add3A_196, %mul3A_293 : i32
      %dma_start3A_295 = tpu.memref_slice %arg5[%add3A_294] : memref<320000xf32, #tpu.memory_space<hbm>> -> memref<80xf32, #tpu.memory_space<hbm>>
      %dma_start3A_296 = tpu.memref_slice %arg5[%add3A_294] : memref<320000xf32, #tpu.memory_space<hbm>> -> memref<80xf32, #tpu.memory_space<hbm>>
      tpu.enqueue_dma source(%dma_start3A_296 : memref<80xf32, #tpu.memory_space<hbm>>) target(%arg14 : memref<80xf32, #tpu.memory_space<vmem>>) target_semaphore(%arg19 : memref<!tpu.dma_semaphore, #tpu.memory_space<semaphore_mem>>)
      %add3A_297 = arith.constant 1 : i32
      %add3A_298 = arith.addi %mul3A_245, %add3A_297 : i32
      %mul3A_299 = arith.constant 80 : i32
      %mul3A_300 = arith.muli %add3A_298, %mul3A_299 : i32
      %dma_wait3A_301 = tpu.memref_slice %arg10[%mul3A_300] : memref<10000xi32, #tpu.memory_space<vmem>> -> memref<80xi32, #tpu.memory_space<vmem>>
      %dma_wait3A_302 = arith.constant 0 : i32
      %dma_wait3A_303 = arith.constant 0 : i32
      %dma_wait3A_304 = tpu.memref_slice %arg2[%arg0, %dma_wait3A_302, %dma_wait3A_303] : memref<2x10000x128xf32, #tpu.memory_space<hbm>> -> memref<1x10000x128xf32, #tpu.memory_space<hbm>>
      %dma_wait3A_305 = tpu.memref_squeeze %dma_wait3A_304 : memref<1x10000x128xf32, #tpu.memory_space<hbm>> -> memref<10000x128xf32, #tpu.memory_space<hbm>>
      %dma_wait3A_306 = arith.constant 0 : i32
      %dma_wait3A_307 = arith.constant 0 : i32
      %dma_wait3A_308 = tpu.memref_slice %dma_wait3A_305[%dma_wait3A_306, %dma_wait3A_307] : memref<10000x128xf32, #tpu.memory_space<hbm>> -> memref<10000x128xf32, #tpu.memory_space<hbm>>
      tpu.wait_indirect_dma semaphore(%arg18 : memref<!tpu.dma_semaphore, #tpu.memory_space<semaphore_mem>>) src(%dma_wait3A_308 : memref<10000x128xf32, #tpu.memory_space<hbm>>) dst(%arg13 : memref<80x128xf32, #tpu.memory_space<vmem>>)
      %mul3A_309 = arith.constant 80 : i32
      %mul3A_310 = arith.muli %add3A_298, %mul3A_309 : i32
      %add3A_311 = arith.addi %add3A_196, %mul3A_310 : i32
      %dma_wait3A_312 = tpu.memref_slice %arg5[%add3A_311] : memref<320000xf32, #tpu.memory_space<hbm>> -> memref<80xf32, #tpu.memory_space<hbm>>
      %dma_wait3A_313 = tpu.memref_slice %arg5[%add3A_311] : memref<320000xf32, #tpu.memory_space<hbm>> -> memref<80xf32, #tpu.memory_space<hbm>>
      tpu.wait_dma2 semaphore(%arg20 : memref<!tpu.dma_semaphore, #tpu.memory_space<semaphore_mem>>) src(%dma_wait3A_313 : memref<80xf32, #tpu.memory_space<hbm>>) dst(%arg15 : memref<80xf32, #tpu.memory_space<vmem>>)
      %mul3A_314 = arith.constant 80 : i32
      %mul3A_315 = arith.muli %add3A_298, %mul3A_314 : i32
      "tpu.region"() ({
        %run_scoped3A = tpu.sem_alloc : memref<!tpu.dma_semaphore, #tpu.memory_space<semaphore_mem>>
        %dma_start3A_316 = tpu.memref_slice %arg11[%mul3A_315] : memref<10000xi32, #tpu.memory_space<vmem>> -> memref<80xi32, #tpu.memory_space<vmem>>
        %dma_start3A_317 = arith.constant 0 : i32
        %dma_start3A_318 = arith.constant 0 : i32
        %dma_start3A_319 = tpu.memref_slice %arg8[%dma_start3A_317, %dma_start3A_318] : memref<10000x128xf32, #tpu.memory_space<vmem_shared>> -> memref<10000x128xf32, #tpu.memory_space<vmem_shared>>
        tpu.enqueue_indirect_dma source(%arg13 : memref<80x128xf32, #tpu.memory_space<vmem>>) target(%dma_start3A_319 : memref<10000x128xf32, #tpu.memory_space<vmem_shared>>) offsets(%dma_start3A_316 : memref<80xi32, #tpu.memory_space<vmem>>) semaphore(%run_scoped3A : memref<!tpu.dma_semaphore, #tpu.memory_space<semaphore_mem>>) {add = true}
        %dma_wait3A_320 = tpu.memref_slice %arg11[%mul3A_315] : memref<10000xi32, #tpu.memory_space<vmem>> -> memref<80xi32, #tpu.memory_space<vmem>>
        %dma_wait3A_321 = arith.constant 0 : i32
        %dma_wait3A_322 = arith.constant 0 : i32
        %dma_wait3A_323 = tpu.memref_slice %arg8[%dma_wait3A_321, %dma_wait3A_322] : memref<10000x128xf32, #tpu.memory_space<vmem_shared>> -> memref<10000x128xf32, #tpu.memory_space<vmem_shared>>
        tpu.wait_indirect_dma semaphore(%run_scoped3A : memref<!tpu.dma_semaphore, #tpu.memory_space<semaphore_mem>>) src(%arg13 : memref<80x128xf32, #tpu.memory_space<vmem>>) dst(%dma_wait3A_323 : memref<10000x128xf32, #tpu.memory_space<vmem_shared>>)
        tpu.yield
      }) : () -> ()
      "tpu.region"() ({
        %run_scoped3A = tpu.sem_alloc : memref<!tpu.dma_semaphore, #tpu.memory_space<semaphore_mem>>
        %dma_start3A_316 = tpu.memref_slice %arg11[%mul3A_315] : memref<10000xi32, #tpu.memory_space<vmem>> -> memref<80xi32, #tpu.memory_space<vmem>>
        %dma_start3A_317 = arith.constant 0 : i32
        %dma_start3A_318 = tpu.memref_slice %arg9[%dma_start3A_317] : memref<10000xf32, #tpu.memory_space<vmem_shared>> -> memref<10000xf32, #tpu.memory_space<vmem_shared>>
        tpu.enqueue_indirect_dma source(%arg15 : memref<80xf32, #tpu.memory_space<vmem>>) target(%dma_start3A_318 : memref<10000xf32, #tpu.memory_space<vmem_shared>>) offsets(%dma_start3A_316 : memref<80xi32, #tpu.memory_space<vmem>>) semaphore(%run_scoped3A : memref<!tpu.dma_semaphore, #tpu.memory_space<semaphore_mem>>) {add = true}
        %dma_wait3A_319 = tpu.memref_slice %arg11[%mul3A_315] : memref<10000xi32, #tpu.memory_space<vmem>> -> memref<80xi32, #tpu.memory_space<vmem>>
        %dma_wait3A_320 = arith.constant 0 : i32
        %dma_wait3A_321 = tpu.memref_slice %arg9[%dma_wait3A_320] : memref<10000xf32, #tpu.memory_space<vmem_shared>> -> memref<10000xf32, #tpu.memory_space<vmem_shared>>
        tpu.wait_indirect_dma semaphore(%run_scoped3A : memref<!tpu.dma_semaphore, #tpu.memory_space<semaphore_mem>>) src(%arg15 : memref<80xf32, #tpu.memory_space<vmem>>) dst(%dma_wait3A_321 : memref<10000xf32, #tpu.memory_space<vmem_shared>>)
        tpu.yield
      }) : () -> ()
    }
    %scan3A_214 = arith.constant 62 : i32
    %dma_wait3A = arith.constant 9920 : i32
    %dma_wait3A_215 = tpu.memref_slice %arg10[%dma_wait3A] : memref<10000xi32, #tpu.memory_space<vmem>> -> memref<80xi32, #tpu.memory_space<vmem>>
    %dma_wait3A_216 = arith.constant 0 : i32
    %dma_wait3A_217 = arith.constant 0 : i32
    %dma_wait3A_218 = tpu.memref_slice %arg2[%arg0, %dma_wait3A_216, %dma_wait3A_217] : memref<2x10000x128xf32, #tpu.memory_space<hbm>> -> memref<1x10000x128xf32, #tpu.memory_space<hbm>>
    %dma_wait3A_219 = tpu.memref_squeeze %dma_wait3A_218 : memref<1x10000x128xf32, #tpu.memory_space<hbm>> -> memref<10000x128xf32, #tpu.memory_space<hbm>>
    %dma_wait3A_220 = arith.constant 0 : i32
    %dma_wait3A_221 = arith.constant 0 : i32
    %dma_wait3A_222 = tpu.memref_slice %dma_wait3A_219[%dma_wait3A_220, %dma_wait3A_221] : memref<10000x128xf32, #tpu.memory_space<hbm>> -> memref<10000x128xf32, #tpu.memory_space<hbm>>
    tpu.wait_indirect_dma semaphore(%arg17 : memref<!tpu.dma_semaphore, #tpu.memory_space<semaphore_mem>>) src(%dma_wait3A_222 : memref<10000x128xf32, #tpu.memory_space<hbm>>) dst(%arg12 : memref<80x128xf32, #tpu.memory_space<vmem>>)
    %add3A_223 = arith.constant 9920 : i32
    %add3A_224 = arith.addi %add3A_196, %add3A_223 : i32
    %dma_wait3A_225 = tpu.memref_slice %arg5[%add3A_224] : memref<320000xf32, #tpu.memory_space<hbm>> -> memref<80xf32, #tpu.memory_space<hbm>>
    %dma_wait3A_226 = tpu.memref_slice %arg5[%add3A_224] : memref<320000xf32, #tpu.memory_space<hbm>> -> memref<80xf32, #tpu.memory_space<hbm>>
    tpu.wait_dma2 semaphore(%arg19 : memref<!tpu.dma_semaphore, #tpu.memory_space<semaphore_mem>>) src(%dma_wait3A_226 : memref<80xf32, #tpu.memory_space<hbm>>) dst(%arg14 : memref<80xf32, #tpu.memory_space<vmem>>)
    "tpu.region"() ({
      %run_scoped3A = tpu.sem_alloc : memref<!tpu.dma_semaphore, #tpu.memory_space<semaphore_mem>>
      %dma_start3A_243 = arith.constant 9920 : i32
      %dma_start3A_244 = tpu.memref_slice %arg11[%dma_start3A_243] : memref<10000xi32, #tpu.memory_space<vmem>> -> memref<80xi32, #tpu.memory_space<vmem>>
      %dma_start3A_245 = arith.constant 0 : i32
      %dma_start3A_246 = arith.constant 0 : i32
      %dma_start3A_247 = tpu.memref_slice %arg8[%dma_start3A_245, %dma_start3A_246] : memref<10000x128xf32, #tpu.memory_space<vmem_shared>> -> memref<10000x128xf32, #tpu.memory_space<vmem_shared>>
      tpu.enqueue_indirect_dma source(%arg12 : memref<80x128xf32, #tpu.memory_space<vmem>>) target(%dma_start3A_247 : memref<10000x128xf32, #tpu.memory_space<vmem_shared>>) offsets(%dma_start3A_244 : memref<80xi32, #tpu.memory_space<vmem>>) semaphore(%run_scoped3A : memref<!tpu.dma_semaphore, #tpu.memory_space<semaphore_mem>>) {add = true}
      %dma_wait3A_248 = arith.constant 9920 : i32
      %dma_wait3A_249 = tpu.memref_slice %arg11[%dma_wait3A_248] : memref<10000xi32, #tpu.memory_space<vmem>> -> memref<80xi32, #tpu.memory_space<vmem>>
      %dma_wait3A_250 = arith.constant 0 : i32
      %dma_wait3A_251 = arith.constant 0 : i32
      %dma_wait3A_252 = tpu.memref_slice %arg8[%dma_wait3A_250, %dma_wait3A_251] : memref<10000x128xf32, #tpu.memory_space<vmem_shared>> -> memref<10000x128xf32, #tpu.memory_space<vmem_shared>>
      tpu.wait_indirect_dma semaphore(%run_scoped3A : memref<!tpu.dma_semaphore, #tpu.memory_space<semaphore_mem>>) src(%arg12 : memref<80x128xf32, #tpu.memory_space<vmem>>) dst(%dma_wait3A_252 : memref<10000x128xf32, #tpu.memory_space<vmem_shared>>)
      tpu.yield
    }) : () -> ()
    "tpu.region"() ({
      %run_scoped3A = tpu.sem_alloc : memref<!tpu.dma_semaphore, #tpu.memory_space<semaphore_mem>>
      %dma_start3A_243 = arith.constant 9920 : i32
      %dma_start3A_244 = tpu.memref_slice %arg11[%dma_start3A_243] : memref<10000xi32, #tpu.memory_space<vmem>> -> memref<80xi32, #tpu.memory_space<vmem>>
      %dma_start3A_245 = arith.constant 0 : i32
      %dma_start3A_246 = tpu.memref_slice %arg9[%dma_start3A_245] : memref<10000xf32, #tpu.memory_space<vmem_shared>> -> memref<10000xf32, #tpu.memory_space<vmem_shared>>
      tpu.enqueue_indirect_dma source(%arg14 : memref<80xf32, #tpu.memory_space<vmem>>) target(%dma_start3A_246 : memref<10000xf32, #tpu.memory_space<vmem_shared>>) offsets(%dma_start3A_244 : memref<80xi32, #tpu.memory_space<vmem>>) semaphore(%run_scoped3A : memref<!tpu.dma_semaphore, #tpu.memory_space<semaphore_mem>>) {add = true}
      %dma_wait3A_247 = arith.constant 9920 : i32
      %dma_wait3A_248 = tpu.memref_slice %arg11[%dma_wait3A_247] : memref<10000xi32, #tpu.memory_space<vmem>> -> memref<80xi32, #tpu.memory_space<vmem>>
      %dma_wait3A_249 = arith.constant 0 : i32
      %dma_wait3A_250 = tpu.memref_slice %arg9[%dma_wait3A_249] : memref<10000xf32, #tpu.memory_space<vmem_shared>> -> memref<10000xf32, #tpu.memory_space<vmem_shared>>
      tpu.wait_indirect_dma semaphore(%run_scoped3A : memref<!tpu.dma_semaphore, #tpu.memory_space<semaphore_mem>>) src(%arg14 : memref<80xf32, #tpu.memory_space<vmem>>) dst(%dma_wait3A_250 : memref<10000xf32, #tpu.memory_space<vmem_shared>>)
      tpu.yield
    }) : () -> ()
    %barrier3A_227 = arith.constant 0 : index
    tpu.barrier barrier_id(%barrier3A_227)
    "tpu.region"() ({
      %run_scoped3A = tpu.sem_alloc : memref<!tpu.dma_semaphore, #tpu.memory_space<semaphore_mem>>
      %dma_start3A_243 = arith.constant 0 : i32
      %dma_start3A_244 = tpu.memref_slice %arg6[%arg0, %mul3A_165, %dma_start3A_243] : memref<2x10000x128xf32, #tpu.memory_space<hbm>> -> memref<1x624x128xf32, #tpu.memory_space<hbm>>
      %dma_start3A_245 = tpu.memref_squeeze %dma_start3A_244 : memref<1x624x128xf32, #tpu.memory_space<hbm>> -> memref<624x128xf32, #tpu.memory_space<hbm>>
      %dma_start3A_246 = arith.constant 0 : i32
      %dma_start3A_247 = tpu.memref_slice %arg8[%mul3A_165, %dma_start3A_246] : memref<10000x128xf32, #tpu.memory_space<vmem_shared>> -> memref<624x128xf32, #tpu.memory_space<vmem_shared>>
      tpu.enqueue_dma source(%dma_start3A_247 : memref<624x128xf32, #tpu.memory_space<vmem_shared>>) target(%dma_start3A_245 : memref<624x128xf32, #tpu.memory_space<hbm>>) target_semaphore(%run_scoped3A : memref<!tpu.dma_semaphore, #tpu.memory_space<semaphore_mem>>)
      %dma_wait3A_248 = arith.constant 0 : i32
      %dma_wait3A_249 = tpu.memref_slice %arg6[%arg0, %mul3A_165, %dma_wait3A_248] : memref<2x10000x128xf32, #tpu.memory_space<hbm>> -> memref<1x624x128xf32, #tpu.memory_space<hbm>>
      %dma_wait3A_250 = tpu.memref_squeeze %dma_wait3A_249 : memref<1x624x128xf32, #tpu.memory_space<hbm>> -> memref<624x128xf32, #tpu.memory_space<hbm>>
      %dma_wait3A_251 = arith.constant 0 : i32
      %dma_wait3A_252 = tpu.memref_slice %arg8[%mul3A_165, %dma_wait3A_251] : memref<10000x128xf32, #tpu.memory_space<vmem_shared>> -> memref<624x128xf32, #tpu.memory_space<vmem_shared>>
      tpu.wait_dma2 semaphore(%run_scoped3A : memref<!tpu.dma_semaphore, #tpu.memory_space<semaphore_mem>>) src(%dma_wait3A_252 : memref<624x128xf32, #tpu.memory_space<vmem_shared>>) dst(%dma_wait3A_250 : memref<624x128xf32, #tpu.memory_space<hbm>>)
      tpu.yield
    }) : () -> ()
    %eq3A_228 = arith.constant 15 : i32
    %eq3A_229 = arith.cmpi eq, %arg1, %eq3A_228 : i32
    %convert_element_type3A_230 = arith.extui %eq3A_229 : i1 to i32
    %cond3A_231 = arith.constant 0 : i32
    %cond3A_232 = arith.cmpi ne, %convert_element_type3A_230, %cond3A_231 : i32
    scf.if %cond3A_232 {
      "tpu.region"() ({
        %run_scoped3A = tpu.sem_alloc : memref<!tpu.dma_semaphore, #tpu.memory_space<semaphore_mem>>
        %dma_start3A_243 = arith.constant 9984 : i32
        %dma_start3A_244 = arith.constant 0 : i32
        %dma_start3A_245 = tpu.memref_slice %arg6[%arg0, %dma_start3A_243, %dma_start3A_244] : memref<2x10000x128xf32, #tpu.memory_space<hbm>> -> memref<1x16x128xf32, #tpu.memory_space<hbm>>
        %dma_start3A_246 = tpu.memref_squeeze %dma_start3A_245 : memref<1x16x128xf32, #tpu.memory_space<hbm>> -> memref<16x128xf32, #tpu.memory_space<hbm>>
        %dma_start3A_247 = arith.constant 9984 : i32
        %dma_start3A_248 = arith.constant 0 : i32
        %dma_start3A_249 = tpu.memref_slice %arg8[%dma_start3A_247, %dma_start3A_248] : memref<10000x128xf32, #tpu.memory_space<vmem_shared>> -> memref<16x128xf32, #tpu.memory_space<vmem_shared>>
        tpu.enqueue_dma source(%dma_start3A_249 : memref<16x128xf32, #tpu.memory_space<vmem_shared>>) target(%dma_start3A_246 : memref<16x128xf32, #tpu.memory_space<hbm>>) target_semaphore(%run_scoped3A : memref<!tpu.dma_semaphore, #tpu.memory_space<semaphore_mem>>)
        %dma_wait3A_250 = arith.constant 9984 : i32
        %dma_wait3A_251 = arith.constant 0 : i32
        %dma_wait3A_252 = tpu.memref_slice %arg6[%arg0, %dma_wait3A_250, %dma_wait3A_251] : memref<2x10000x128xf32, #tpu.memory_space<hbm>> -> memref<1x16x128xf32, #tpu.memory_space<hbm>>
        %dma_wait3A_253 = tpu.memref_squeeze %dma_wait3A_252 : memref<1x16x128xf32, #tpu.memory_space<hbm>> -> memref<16x128xf32, #tpu.memory_space<hbm>>
        %dma_wait3A_254 = arith.constant 9984 : i32
        %dma_wait3A_255 = arith.constant 0 : i32
        %dma_wait3A_256 = tpu.memref_slice %arg8[%dma_wait3A_254, %dma_wait3A_255] : memref<10000x128xf32, #tpu.memory_space<vmem_shared>> -> memref<16x128xf32, #tpu.memory_space<vmem_shared>>
        tpu.wait_dma2 semaphore(%run_scoped3A : memref<!tpu.dma_semaphore, #tpu.memory_space<semaphore_mem>>) src(%dma_wait3A_256 : memref<16x128xf32, #tpu.memory_space<vmem_shared>>) dst(%dma_wait3A_253 : memref<16x128xf32, #tpu.memory_space<hbm>>)
        tpu.yield
      }) : () -> ()
    } else {
    }
    %lt3A_233 = arith.constant 15 : i32
    %lt3A_234 = arith.cmpi slt, %arg1, %lt3A_233 : i32
    %convert_element_type3A_235 = arith.extui %lt3A_234 : i1 to i32
    %cond3A_236 = arith.constant 0 : i32
    %cond3A_237 = arith.cmpi ne, %convert_element_type3A_235, %cond3A_236 : i32
    scf.if %cond3A_237 {
      %mul3A_243 = arith.constant 640 : i32
      %mul3A_244 = arith.muli %arg1, %mul3A_243 : i32
      "tpu.region"() ({
        %run_scoped3A = tpu.sem_alloc : memref<!tpu.dma_semaphore, #tpu.memory_space<semaphore_mem>>
        %dma_start3A_250 = tpu.memref_slice %arg9[%mul3A_244] : memref<10000xf32, #tpu.memory_space<vmem_shared>> -> memref<640xf32, #tpu.memory_space<vmem_shared>>
        %dma_start3A_251 = tpu.memref_slice %arg9[%mul3A_244] : memref<10000xf32, #tpu.memory_space<vmem_shared>> -> memref<640xf32, #tpu.memory_space<vmem_shared>>
        tpu.enqueue_dma source(%dma_start3A_251 : memref<640xf32, #tpu.memory_space<vmem_shared>>) target(%arg16 : memref<640xf32, #tpu.memory_space<vmem>>) target_semaphore(%run_scoped3A : memref<!tpu.dma_semaphore, #tpu.memory_space<semaphore_mem>>)
        %dma_wait3A_252 = tpu.memref_slice %arg9[%mul3A_244] : memref<10000xf32, #tpu.memory_space<vmem_shared>> -> memref<640xf32, #tpu.memory_space<vmem_shared>>
        %dma_wait3A_253 = tpu.memref_slice %arg9[%mul3A_244] : memref<10000xf32, #tpu.memory_space<vmem_shared>> -> memref<640xf32, #tpu.memory_space<vmem_shared>>
        tpu.wait_dma2 semaphore(%run_scoped3A : memref<!tpu.dma_semaphore, #tpu.memory_space<semaphore_mem>>) src(%dma_wait3A_253 : memref<640xf32, #tpu.memory_space<vmem_shared>>) dst(%arg16 : memref<640xf32, #tpu.memory_space<vmem>>)
        tpu.yield
      }) : () -> ()
      %mul3A_245 = arith.constant 10000 : i32
      %mul3A_246 = arith.muli %arg0, %mul3A_245 : i32
      %mul3A_247 = arith.constant 640 : i32
      %mul3A_248 = arith.muli %arg1, %mul3A_247 : i32
      %add3A_249 = arith.addi %mul3A_246, %mul3A_248 : i32
      "tpu.region"() ({
        %run_scoped3A = tpu.sem_alloc : memref<!tpu.dma_semaphore, #tpu.memory_space<semaphore_mem>>
        %dma_start3A_250 = tpu.memref_slice %arg7[%add3A_249] : memref<20000xf32, #tpu.memory_space<hbm>> -> memref<640xf32, #tpu.memory_space<hbm>>
        %dma_start3A_251 = tpu.memref_slice %arg7[%add3A_249] : memref<20000xf32, #tpu.memory_space<hbm>> -> memref<640xf32, #tpu.memory_space<hbm>>
        tpu.enqueue_dma source(%arg16 : memref<640xf32, #tpu.memory_space<vmem>>) target(%dma_start3A_251 : memref<640xf32, #tpu.memory_space<hbm>>) target_semaphore(%run_scoped3A : memref<!tpu.dma_semaphore, #tpu.memory_space<semaphore_mem>>)
        %dma_wait3A_252 = tpu.memref_slice %arg7[%add3A_249] : memref<20000xf32, #tpu.memory_space<hbm>> -> memref<640xf32, #tpu.memory_space<hbm>>
        %dma_wait3A_253 = tpu.memref_slice %arg7[%add3A_249] : memref<20000xf32, #tpu.memory_space<hbm>> -> memref<640xf32, #tpu.memory_space<hbm>>
        tpu.wait_dma2 semaphore(%run_scoped3A : memref<!tpu.dma_semaphore, #tpu.memory_space<semaphore_mem>>) src(%arg16 : memref<640xf32, #tpu.memory_space<vmem>>) dst(%dma_wait3A_253 : memref<640xf32, #tpu.memory_space<hbm>>)
        tpu.yield
      }) : () -> ()
    } else {
    }
    %eq3A_238 = arith.constant 15 : i32
    %eq3A_239 = arith.cmpi eq, %arg1, %eq3A_238 : i32
    %convert_element_type3A_240 = arith.extui %eq3A_239 : i1 to i32
    %cond3A_241 = arith.constant 0 : i32
    %cond3A_242 = arith.cmpi ne, %convert_element_type3A_240, %cond3A_241 : i32
    scf.if %cond3A_242 {
      "tpu.region"() ({
        %run_scoped3A = tpu.sem_alloc : memref<!tpu.dma_semaphore, #tpu.memory_space<semaphore_mem>>
        %dma_start3A_247 = arith.constant 0 : i32
        %dma_start3A_248 = tpu.memref_slice %arg16[%dma_start3A_247] : memref<640xf32, #tpu.memory_space<vmem>> -> memref<400xf32, #tpu.memory_space<vmem>>
        %dma_start3A_249 = arith.constant 9600 : i32
        %dma_start3A_250 = tpu.memref_slice %arg9[%dma_start3A_249] : memref<10000xf32, #tpu.memory_space<vmem_shared>> -> memref<400xf32, #tpu.memory_space<vmem_shared>>
        %dma_start3A_251 = arith.constant 0 : i32
        %dma_start3A_252 = tpu.memref_slice %arg16[%dma_start3A_251] : memref<640xf32, #tpu.memory_space<vmem>> -> memref<400xf32, #tpu.memory_space<vmem>>
        %dma_start3A_253 = arith.constant 9600 : i32
        %dma_start3A_254 = tpu.memref_slice %arg9[%dma_start3A_253] : memref<10000xf32, #tpu.memory_space<vmem_shared>> -> memref<400xf32, #tpu.memory_space<vmem_shared>>
        tpu.enqueue_dma source(%dma_start3A_254 : memref<400xf32, #tpu.memory_space<vmem_shared>>) target(%dma_start3A_252 : memref<400xf32, #tpu.memory_space<vmem>>) target_semaphore(%run_scoped3A : memref<!tpu.dma_semaphore, #tpu.memory_space<semaphore_mem>>)
        %dma_wait3A_255 = arith.constant 0 : i32
        %dma_wait3A_256 = tpu.memref_slice %arg16[%dma_wait3A_255] : memref<640xf32, #tpu.memory_space<vmem>> -> memref<400xf32, #tpu.memory_space<vmem>>
        %dma_wait3A_257 = arith.constant 9600 : i32
        %dma_wait3A_258 = tpu.memref_slice %arg9[%dma_wait3A_257] : memref<10000xf32, #tpu.memory_space<vmem_shared>> -> memref<400xf32, #tpu.memory_space<vmem_shared>>
        %dma_wait3A_259 = arith.constant 0 : i32
        %dma_wait3A_260 = tpu.memref_slice %arg16[%dma_wait3A_259] : memref<640xf32, #tpu.memory_space<vmem>> -> memref<400xf32, #tpu.memory_space<vmem>>
        %dma_wait3A_261 = arith.constant 9600 : i32
        %dma_wait3A_262 = tpu.memref_slice %arg9[%dma_wait3A_261] : memref<10000xf32, #tpu.memory_space<vmem_shared>> -> memref<400xf32, #tpu.memory_space<vmem_shared>>
        tpu.wait_dma2 semaphore(%run_scoped3A : memref<!tpu.dma_semaphore, #tpu.memory_space<semaphore_mem>>) src(%dma_wait3A_262 : memref<400xf32, #tpu.memory_space<vmem_shared>>) dst(%dma_wait3A_260 : memref<400xf32, #tpu.memory_space<vmem>>)
        tpu.yield
      }) : () -> ()
      %mul3A_243 = arith.constant 10000 : i32
      %mul3A_244 = arith.muli %arg0, %mul3A_243 : i32
      %add3A_245 = arith.constant 9600 : i32
      %add3A_246 = arith.addi %mul3A_244, %add3A_245 : i32
      "tpu.region"() ({
        %run_scoped3A = tpu.sem_alloc : memref<!tpu.dma_semaphore, #tpu.memory_space<semaphore_mem>>
        %dma_start3A_247 = arith.constant 0 : i32
        %dma_start3A_248 = tpu.memref_slice %arg16[%dma_start3A_247] : memref<640xf32, #tpu.memory_space<vmem>> -> memref<400xf32, #tpu.memory_space<vmem>>
        %dma_start3A_249 = tpu.memref_slice %arg7[%add3A_246] : memref<20000xf32, #tpu.memory_space<hbm>> -> memref<400xf32, #tpu.memory_space<hbm>>
        %dma_start3A_250 = tpu.memref_slice %arg7[%add3A_246] : memref<20000xf32, #tpu.memory_space<hbm>> -> memref<400xf32, #tpu.memory_space<hbm>>
        %dma_start3A_251 = arith.constant 0 : i32
        %dma_start3A_252 = tpu.memref_slice %arg16[%dma_start3A_251] : memref<640xf32, #tpu.memory_space<vmem>> -> memref<400xf32, #tpu.memory_space<vmem>>
        tpu.enqueue_dma source(%dma_start3A_252 : memref<400xf32, #tpu.memory_space<vmem>>) target(%dma_start3A_250 : memref<400xf32, #tpu.memory_space<hbm>>) target_semaphore(%run_scoped3A : memref<!tpu.dma_semaphore, #tpu.memory_space<semaphore_mem>>)
        %dma_wait3A_253 = arith.constant 0 : i32
        %dma_wait3A_254 = tpu.memref_slice %arg16[%dma_wait3A_253] : memref<640xf32, #tpu.memory_space<vmem>> -> memref<400xf32, #tpu.memory_space<vmem>>
        %dma_wait3A_255 = tpu.memref_slice %arg7[%add3A_246] : memref<20000xf32, #tpu.memory_space<hbm>> -> memref<400xf32, #tpu.memory_space<hbm>>
        %dma_wait3A_256 = tpu.memref_slice %arg7[%add3A_246] : memref<20000xf32, #tpu.memory_space<hbm>> -> memref<400xf32, #tpu.memory_space<hbm>>
        %dma_wait3A_257 = arith.constant 0 : i32
        %dma_wait3A_258 = tpu.memref_slice %arg16[%dma_wait3A_257] : memref<640xf32, #tpu.memory_space<vmem>> -> memref<400xf32, #tpu.memory_space<vmem>>
        tpu.wait_dma2 semaphore(%run_scoped3A : memref<!tpu.dma_semaphore, #tpu.memory_space<semaphore_mem>>) src(%dma_wait3A_258 : memref<400xf32, #tpu.memory_space<vmem>>) dst(%dma_wait3A_256 : memref<400xf32, #tpu.memory_space<hbm>>)
        tpu.yield
      }) : () -> ()
    } else {
    }
    return
  }
}

module attributes {stable_mosaic.version = 14 : i64} {
  func.func @_bn_body(%arg0: i32, %arg1: i32, %arg2: memref<2000x128xf32, #tpu.memory_space<vmem>>, %arg3: memref<2000x128xf32, #tpu.memory_space<vmem>>, %arg4: memref<2000x1xf32, #tpu.memory_space<vmem>>, %arg5: memref<128x128xf32, #tpu.memory_space<vmem>>, %arg6: memref<128x128xf32, #tpu.memory_space<vmem>>, %arg7: memref<1x128xf32, #tpu.memory_space<vmem>>, %arg8: memref<1x128xf32, #tpu.memory_space<vmem>>, %arg9: memref<1x128xf32, #tpu.memory_space<vmem>>, %arg10: memref<1x128xf32, #tpu.memory_space<vmem>>, %arg11: memref<2000x128xf32, #tpu.memory_space<vmem>>, %arg12: memref<4x128xf32, #tpu.memory_space<vmem>>) attributes {dimension_semantics = [#tpu.dimension_semantics<arbitrary>, #tpu.dimension_semantics<arbitrary>], iteration_bounds = array<i64: 2, 10>, scalar_prefetch = 0 : i64, scratch_operands = 1 : i64, tpu.core_type = #tpu.core_type<tc>, window_params = [{transform_indices = @transform_0, window_bounds = array<i64: 2000, 128>}, {transform_indices = @transform_1, window_bounds = array<i64: 2000, 128>}, {transform_indices = @transform_2, window_bounds = array<i64: 2000, 1>}, {pipeline_mode = #tpu.pipeline_mode<synchronous>, transform_indices = @transform_3, window_bounds = array<i64: 128, 128>}, {pipeline_mode = #tpu.pipeline_mode<synchronous>, transform_indices = @transform_4, window_bounds = array<i64: 128, 128>}, {pipeline_mode = #tpu.pipeline_mode<synchronous>, transform_indices = @transform_5, window_bounds = array<i64: 1, 128>}, {pipeline_mode = #tpu.pipeline_mode<synchronous>, transform_indices = @transform_6, window_bounds = array<i64: 1, 128>}, {pipeline_mode = #tpu.pipeline_mode<synchronous>, transform_indices = @transform_7, window_bounds = array<i64: 1, 128>}, {pipeline_mode = #tpu.pipeline_mode<synchronous>, transform_indices = @transform_8, window_bounds = array<i64: 1, 128>}, {transform_indices = @transform_9, window_bounds = array<i64: 2000, 128>}]} {
    %get3A = arith.constant 0 : index
    %get3A_0 = arith.constant 0 : index
    %get3A_1 = vector.load %arg2[%get3A, %get3A_0] : memref<2000x128xf32, #tpu.memory_space<vmem>>, vector<2000x128xf32>
    %get3A_2 = arith.constant 0 : index
    %get3A_3 = arith.constant 0 : index
    %get3A_4 = vector.load %arg5[%get3A_2, %get3A_3] : memref<128x128xf32, #tpu.memory_space<vmem>>, vector<128x128xf32>
    %dot_general3A = arith.constant dense<0.000000e+00> : vector<2000x128xf32>
    %dot_general3A_5 = tpu.matmul %get3A_1, %get3A_4, %dot_general3A {dimension_numbers = #tpu.dot_dimension_numbers<[1], [0], [0], [1], [0, 0, 1, 1], [], []>, transpose_lhs_hint = false} : vector<2000x128xf32>, vector<128x128xf32>, vector<2000x128xf32> -> vector<2000x128xf32>
    %get3A_6 = arith.constant 0 : index
    %get3A_7 = arith.constant 0 : index
    %get3A_8 = vector.load %arg3[%get3A_6, %get3A_7] : memref<2000x128xf32, #tpu.memory_space<vmem>>, vector<2000x128xf32>
    %get3A_9 = arith.constant 0 : index
    %get3A_10 = arith.constant 0 : index
    %get3A_11 = vector.load %arg6[%get3A_9, %get3A_10] : memref<128x128xf32, #tpu.memory_space<vmem>>, vector<128x128xf32>
    %dot_general3A_12 = arith.constant dense<0.000000e+00> : vector<2000x128xf32>
    %dot_general3A_13 = tpu.matmul %get3A_8, %get3A_11, %dot_general3A_12 {dimension_numbers = #tpu.dot_dimension_numbers<[1], [0], [0], [1], [0, 0, 1, 1], [], []>, transpose_lhs_hint = false} : vector<2000x128xf32>, vector<128x128xf32>, vector<2000x128xf32> -> vector<2000x128xf32>
    %add3A = arith.addf %dot_general3A_5, %dot_general3A_13 : vector<2000x128xf32>
    %get3A_14 = arith.constant 0 : index
    %get3A_15 = arith.constant 0 : index
    %get3A_16 = vector.load %arg7[%get3A_14, %get3A_15] : memref<1x128xf32, #tpu.memory_space<vmem>>, vector<1x128xf32>
    %add3A_17 = vector.broadcast %get3A_16 : vector<1x128xf32> to vector<2000x128xf32>
    %add3A_18 = arith.addf %add3A, %add3A_17 : vector<2000x128xf32>
    %get3A_19 = arith.constant 0 : index
    %get3A_20 = arith.constant 0 : index
    %get3A_21 = vector.load %arg4[%get3A_19, %get3A_20] : memref<2000x1xf32, #tpu.memory_space<vmem>>, vector<2000x1xf32>
    %get3A_22 = arith.constant 0 : index
    %get3A_23 = arith.constant 0 : index
    %get3A_24 = vector.load %arg8[%get3A_22, %get3A_23] : memref<1x128xf32, #tpu.memory_space<vmem>>, vector<1x128xf32>
    %mul3A = vector.broadcast %get3A_21 : vector<2000x1xf32> to vector<2000x128xf32>
    %mul3A_25 = vector.broadcast %get3A_24 : vector<1x128xf32> to vector<2000x128xf32>
    %mul3A_26 = arith.mulf %mul3A, %mul3A_25 : vector<2000x128xf32>
    %add3A_27 = arith.addf %add3A_18, %mul3A_26 : vector<2000x128xf32>
    %eq3A = arith.constant 0 : i32
    %eq3A_28 = arith.cmpi eq, %arg0, %eq3A : i32
    %convert_element_type3A = arith.extui %eq3A_28 : i1 to i32
    %cond3A = arith.constant 0 : i32
    %cond3A_29 = arith.cmpi ne, %convert_element_type3A, %cond3A : i32
    scf.if %cond3A_29 {
      %eq3A_35 = arith.constant 0 : i32
      %eq3A_36 = arith.cmpi eq, %arg1, %eq3A_35 : i32
      %convert_element_type3A_37 = arith.extui %eq3A_36 : i1 to i32
      %cond3A_38 = arith.constant 0 : i32
      %cond3A_39 = arith.cmpi ne, %convert_element_type3A_37, %cond3A_38 : i32
      scf.if %cond3A_39 {
        %broadcast_in_dim3A_58 = arith.constant 0.000000e+00 : f32
        %broadcast_in_dim3A_59 = vector.broadcast %broadcast_in_dim3A_58 : f32 to vector<2x128xf32>
        %swap3A_60 = arith.constant 0 : index
        %swap3A_61 = arith.constant 0 : index
        %swap3A_62 = vector.load %arg12[%swap3A_60, %swap3A_61] : memref<4x128xf32, #tpu.memory_space<vmem>>, vector<2x128xf32>
        tpu.vector_store %arg12[%swap3A_60, %swap3A_61], %broadcast_in_dim3A_59 {strides = array<i32>} : memref<4x128xf32, #tpu.memory_space<vmem>>, vector<2x128xf32>,
      } else {
      }
      %get3A_40 = arith.constant 0 : index
      %get3A_41 = arith.constant 0 : index
      %get3A_42 = vector.load %arg12[%get3A_40, %get3A_41] : memref<4x128xf32, #tpu.memory_space<vmem>>, vector<1x128xf32>
      %reduce_sum3A = arith.constant dense<0.000000e+00> : vector<128xf32>
      %reduce_sum3A_43 = vector.multi_reduction <add>, %add3A_27, %reduce_sum3A [0] : vector<2000x128xf32> to vector<128xf32>
      %broadcast_in_dim3A = vector.shape_cast %reduce_sum3A_43 : vector<128xf32> to vector<1x128xf32>
      %add3A_44 = arith.addf %get3A_42, %broadcast_in_dim3A : vector<1x128xf32>
      %swap3A = arith.constant 0 : index
      %swap3A_45 = arith.constant 0 : index
      %swap3A_46 = vector.load %arg12[%swap3A, %swap3A_45] : memref<4x128xf32, #tpu.memory_space<vmem>>, vector<1x128xf32>
      tpu.vector_store %arg12[%swap3A, %swap3A_45], %add3A_44 {strides = array<i32>} : memref<4x128xf32, #tpu.memory_space<vmem>>, vector<1x128xf32>,
      %get3A_47 = arith.constant 1 : index
      %get3A_48 = arith.constant 0 : index
      %get3A_49 = vector.load %arg12[%get3A_47, %get3A_48] : memref<4x128xf32, #tpu.memory_space<vmem>>, vector<1x128xf32>
      %mul3A_50 = arith.mulf %add3A_27, %add3A_27 : vector<2000x128xf32>
      %reduce_sum3A_51 = arith.constant dense<0.000000e+00> : vector<128xf32>
      %reduce_sum3A_52 = vector.multi_reduction <add>, %mul3A_50, %reduce_sum3A_51 [0] : vector<2000x128xf32> to vector<128xf32>
      %broadcast_in_dim3A_53 = vector.shape_cast %reduce_sum3A_52 : vector<128xf32> to vector<1x128xf32>
      %add3A_54 = arith.addf %get3A_49, %broadcast_in_dim3A_53 : vector<1x128xf32>
      %swap3A_55 = arith.constant 1 : index
      %swap3A_56 = arith.constant 0 : index
      %swap3A_57 = vector.load %arg12[%swap3A_55, %swap3A_56] : memref<4x128xf32, #tpu.memory_space<vmem>>, vector<1x128xf32>
      tpu.vector_store %arg12[%swap3A_55, %swap3A_56], %add3A_54 {strides = array<i32>} : memref<4x128xf32, #tpu.memory_space<vmem>>, vector<1x128xf32>,
    } else {
    }
    %eq3A_30 = arith.constant 1 : i32
    %eq3A_31 = arith.cmpi eq, %arg0, %eq3A_30 : i32
    %convert_element_type3A_32 = arith.extui %eq3A_31 : i1 to i32
    %cond3A_33 = arith.constant 0 : i32
    %cond3A_34 = arith.cmpi ne, %convert_element_type3A_32, %cond3A_33 : i32
    scf.if %cond3A_34 {
      %eq3A_35 = arith.constant 0 : i32
      %eq3A_36 = arith.cmpi eq, %arg1, %eq3A_35 : i32
      %convert_element_type3A_37 = arith.extui %eq3A_36 : i1 to i32
      %cond3A_38 = arith.constant 0 : i32
      %cond3A_39 = arith.cmpi ne, %convert_element_type3A_37, %cond3A_38 : i32
      scf.if %cond3A_39 {
        %get3A_54 = arith.constant 0 : index
        %get3A_55 = arith.constant 0 : index
        %get3A_56 = vector.load %arg12[%get3A_54, %get3A_55] : memref<4x128xf32, #tpu.memory_space<vmem>>, vector<1x128xf32>
        %div3A = arith.constant 2.000000e+04 : f32
        %div3A_57 = vector.broadcast %div3A : f32 to vector<1x128xf32>
        %div3A_58 = arith.divf %get3A_56, %div3A_57 : vector<1x128xf32>
        %get3A_59 = arith.constant 1 : index
        %get3A_60 = arith.constant 0 : index
        %get3A_61 = vector.load %arg12[%get3A_59, %get3A_60] : memref<4x128xf32, #tpu.memory_space<vmem>>, vector<1x128xf32>
        %div3A_62 = arith.constant 2.000000e+04 : f32
        %div3A_63 = vector.broadcast %div3A_62 : f32 to vector<1x128xf32>
        %div3A_64 = arith.divf %get3A_61, %div3A_63 : vector<1x128xf32>
        %mul3A_65 = arith.mulf %div3A_58, %div3A_58 : vector<1x128xf32>
        %sub3A = arith.subf %div3A_64, %mul3A_65 : vector<1x128xf32>
        %get3A_66 = arith.constant 0 : index
        %get3A_67 = arith.constant 0 : index
        %get3A_68 = vector.load %arg9[%get3A_66, %get3A_67] : memref<1x128xf32, #tpu.memory_space<vmem>>, vector<1x128xf32>
        %add3A_69 = arith.constant 9.99999974E-6 : f32
        %add3A_70 = vector.broadcast %add3A_69 : f32 to vector<1x128xf32>
        %add3A_71 = arith.addf %sub3A, %add3A_70 : vector<1x128xf32>
        %rsqrt3A = math.rsqrt %add3A_71 : vector<1x128xf32>
        %mul3A_72 = arith.mulf %get3A_68, %rsqrt3A : vector<1x128xf32>
        %swap3A_73 = arith.constant 2 : index
        %swap3A_74 = arith.constant 0 : index
        %swap3A_75 = vector.load %arg12[%swap3A_73, %swap3A_74] : memref<4x128xf32, #tpu.memory_space<vmem>>, vector<1x128xf32>
        tpu.vector_store %arg12[%swap3A_73, %swap3A_74], %mul3A_72 {strides = array<i32>} : memref<4x128xf32, #tpu.memory_space<vmem>>, vector<1x128xf32>,
        %get3A_76 = arith.constant 0 : index
        %get3A_77 = arith.constant 0 : index
        %get3A_78 = vector.load %arg10[%get3A_76, %get3A_77] : memref<1x128xf32, #tpu.memory_space<vmem>>, vector<1x128xf32>
        %mul3A_79 = arith.mulf %div3A_58, %mul3A_72 : vector<1x128xf32>
        %sub3A_80 = arith.subf %get3A_78, %mul3A_79 : vector<1x128xf32>
        %swap3A_81 = arith.constant 3 : index
        %swap3A_82 = arith.constant 0 : index
        %swap3A_83 = vector.load %arg12[%swap3A_81, %swap3A_82] : memref<4x128xf32, #tpu.memory_space<vmem>>, vector<1x128xf32>
        tpu.vector_store %arg12[%swap3A_81, %swap3A_82], %sub3A_80 {strides = array<i32>} : memref<4x128xf32, #tpu.memory_space<vmem>>, vector<1x128xf32>,
      } else {
      }
      %get3A_40 = arith.constant 2 : index
      %get3A_41 = arith.constant 0 : index
      %get3A_42 = vector.load %arg12[%get3A_40, %get3A_41] : memref<4x128xf32, #tpu.memory_space<vmem>>, vector<1x128xf32>
      %mul3A_43 = vector.broadcast %get3A_42 : vector<1x128xf32> to vector<2000x128xf32>
      %mul3A_44 = arith.mulf %add3A_27, %mul3A_43 : vector<2000x128xf32>
      %get3A_45 = arith.constant 3 : index
      %get3A_46 = arith.constant 0 : index
      %get3A_47 = vector.load %arg12[%get3A_45, %get3A_46] : memref<4x128xf32, #tpu.memory_space<vmem>>, vector<1x128xf32>
      %add3A_48 = vector.broadcast %get3A_47 : vector<1x128xf32> to vector<2000x128xf32>
      %add3A_49 = arith.addf %mul3A_44, %add3A_48 : vector<2000x128xf32>
      %max3A = arith.constant 0.000000e+00 : f32
      %max3A_50 = vector.broadcast %max3A : f32 to vector<2000x128xf32>
      %max3A_51 = arith.maximumf %add3A_49, %max3A_50 : vector<2000x128xf32>
      %swap3A = arith.constant 0 : index
      %swap3A_52 = arith.constant 0 : index
      %swap3A_53 = vector.load %arg11[%swap3A, %swap3A_52] : memref<2000x128xf32, #tpu.memory_space<vmem>>, vector<2000x128xf32>
      tpu.vector_store %arg11[%swap3A, %swap3A_52], %max3A_51 {strides = array<i32>} : memref<2000x128xf32, #tpu.memory_space<vmem>>, vector<2000x128xf32>,
    } else {
    }
    return
  }
  func.func @transform_0(%arg0: i32, %arg1: i32) -> (i32, i32) {
    %c0_i32 = arith.constant 0 : i32
    %c0_i32_0 = arith.constant 0 : i32
    return %arg1, %c0_i32 : i32, i32
  }
  func.func @transform_1(%arg0: i32, %arg1: i32) -> (i32, i32) {
    %c0_i32 = arith.constant 0 : i32
    %c0_i32_0 = arith.constant 0 : i32
    return %arg1, %c0_i32 : i32, i32
  }
  func.func @transform_2(%arg0: i32, %arg1: i32) -> (i32, i32) {
    %c0_i32 = arith.constant 0 : i32
    %c0_i32_0 = arith.constant 0 : i32
    return %arg1, %c0_i32 : i32, i32
  }
  func.func @transform_3(%arg0: i32, %arg1: i32) -> (i32, i32) {
    %c0_i32 = arith.constant 0 : i32
    %c0_i32_0 = arith.constant 0 : i32
    %c0_i32_1 = arith.constant 0 : i32
    return %c0_i32, %c0_i32_0 : i32, i32
  }
  func.func @transform_4(%arg0: i32, %arg1: i32) -> (i32, i32) {
    %c0_i32 = arith.constant 0 : i32
    %c0_i32_0 = arith.constant 0 : i32
    %c0_i32_1 = arith.constant 0 : i32
    return %c0_i32, %c0_i32_0 : i32, i32
  }
  func.func @transform_5(%arg0: i32, %arg1: i32) -> (i32, i32) {
    %c0_i32 = arith.constant 0 : i32
    %c0_i32_0 = arith.constant 0 : i32
    %c0_i32_1 = arith.constant 0 : i32
    return %c0_i32, %c0_i32_0 : i32, i32
  }
  func.func @transform_6(%arg0: i32, %arg1: i32) -> (i32, i32) {
    %c0_i32 = arith.constant 0 : i32
    %c0_i32_0 = arith.constant 0 : i32
    %c0_i32_1 = arith.constant 0 : i32
    return %c0_i32, %c0_i32_0 : i32, i32
  }
  func.func @transform_7(%arg0: i32, %arg1: i32) -> (i32, i32) {
    %c0_i32 = arith.constant 0 : i32
    %c0_i32_0 = arith.constant 0 : i32
    %c0_i32_1 = arith.constant 0 : i32
    return %c0_i32, %c0_i32_0 : i32, i32
  }
  func.func @transform_8(%arg0: i32, %arg1: i32) -> (i32, i32) {
    %c0_i32 = arith.constant 0 : i32
    %c0_i32_0 = arith.constant 0 : i32
    %c0_i32_1 = arith.constant 0 : i32
    return %c0_i32, %c0_i32_0 : i32, i32
  }
  func.func @transform_9(%arg0: i32, %arg1: i32) -> (i32, i32) {
    %mul3A = arith.muli %arg1, %arg0 : i32
    %c0_i32 = arith.constant 0 : i32
    %c0_i32_0 = arith.constant 0 : i32
    return %mul3A, %c0_i32 : i32, i32
  }
}

</mosaic_0001>

<sc_bundles>
// kernel: kernel.4.cloned.1.call-start
scs
__scs_entry_jumppad:
0x0: {  	(pc) =	sbr.rel $0x88, $3  }
0x1: {  	(tag) =	ssettag $0x0;
	lr =	simm.s32 $0x1  }
0x2: {  	[smem:$0x3F98] =	sst lr;
	_ =	strace $0xD0000000  }
0x3: {  	_ = 	snop  }
0x4: {  	_ = 	snop  }
0x5: {  	_ = 	snop  }
0x6: {  	_ = 	snop  }
0x7: {  	_ = 	snop  }
__scs_overlays_trampoline_lowered:
0x8: {  	[smem:$0x3FA7] =	sst s0  }
0x9: {  	[smem:$0x3FA8] =	sst s1  }
0xa: {  	[smem:$0x3FA9] =	sst s2  }
0xb: {  	[smem:$0x3FAA] =	sst s3  }
0xc: {  	[smem:$0x3FAB] =	sst s4  }
0xd: {  	[smem:$0x3FAC] =	sst s5  }
0xe: {  	[smem:$0x3FAD] =	sst s6  }
0xf: {  	[smem:$0x3FAE] =	sst s7  }
0x10: {  	[smem:$0x3FAF] =	sst s8  }
0x11: {  	[smem:$0x3FB0] =	sst s9;
	s0 =	simm.s32 @!p0 $0x0  }
0x12: {  	s1 =	sld [smem:$0x3F96];
	s0 =	simm.s32 @p0 $0x1  }
0x13: {  	[smem:$0x3FB1] =	sst s0;
	s0 =	simm.s32 @!p1 $0x0  }
0x14: {  	s2 =	sld [smem:$0x3F95];
	s0 =	simm.s32 @p1 $0x1  }
0x15: {  	[smem:$0x3FB2] =	sst s0;
	s0 =	simm.s32 @!p2 $0x0  }
0x16: {  	s3 =	sld [smem:$0x3FDB];
	s0 =	simm.s32 @p2 $0x1  }
0x17: {  	s4 =	simm.s32 $0x1BF5;
	[smem:$0x3FB4] =	sst s0  }
0x18: {  	s0 =	sld [smem:$0x3F97];
	_ =	swait.ge [sflag:s4], $0x0  }
0x19: {  	s7 =	sld [smem:$0x3F98]  }
0x1a: {  	s8 =	sadd.s32 $0xFFFFE003, lr  }
0x1b: {  	s9 =	sadd.s32 $0xFFFFFEF7, lr;
	s5 =	simm.s32 $0xFFFFFFFF;
	p2 =	slt.u32 s8, $0xFFFFF086  }
0x1c: {  	p1 =	slt.u32 s9, $0xF7A;
	s5 =	simm.s32 @!p2 $0x0  }
0x1d: {  	s5 =	simm.s32 @p1 $0x1;
	p0 =	seq.s32 s7, s2  }
0x1e: {  	s7 =	smul.u32 @!p0 $0xF7A, s2;
	p2 =	seq.s32 @!p0 s5, $0x0  }
0x1f: {  	s9 =	smul.u32 $0xF7A, s1;
	s8 =	simm.s32 @!p0 $0x1BF5;
	p2 =	por !p2, p0  }
0x20: {  	[sflag:s8] =	ssyncset.s32 @!p0 $0xFFFFF086;
	s6 =	sadd.s32 @!p0 s3, s7;
	s7 =	simm.s32 @!p0 $0x108  }
0x21: {  	s3 =	sadd.s32 s3, s9;
	s6 =	sadd.s32 @!p0 $0x88, s6;
	s7 =	simm.s32 @p2 $0x1082  }
0x22: {  	[simem:s7], [sflag:s8] =	dma.local @!p0 [hbm:s6], $0xF7A  }
0x23: {  	s9 =	sor.u32 $0xD0000000, s2;
	s6 =	simm.s32 $0x108;
	_ =	swait.ge @!p0 [sflag:s8], $0x0  }
0x24: {  	s3 =	sadd.s32 $0x88, s3;
	s6 =	simm.s32 @!p1 $0x1082;
	[sflag:s4] =	ssyncset.s32 $0xFFFFF086  }
0x25: {  	[simem:s6], [sflag:s4] =	dma.local [hbm:s3], $0xF7A  }
0x26: {  	[smem:$0x3F98] =	sst s1;
	(tag) =	ssettag s2;
	_ =	strace s9  }
0x27: {  	s1 =	sld [smem:$0x3FA8]  }
0x28: {  	s2 =	sld [smem:$0x3FA9]  }
0x29: {  	s4 =	sld [smem:$0x3FAB]  }
0x2a: {  	p0 =	seq.s32 s5, $0x0;
	s5 =	sld [smem:$0x3FAC]  }
0x2b: {  	s6 =	sld [smem:$0x3FAD]  }
0x2c: {  	s7 =	sld [smem:$0x3FAE]  }
0x2d: {  	s3 =	simm.s32 $0x108;
	s8 =	sld [smem:$0x3FAF]  }
0x2e: {  	s3 =	simm.s32 @!p0 $0x1082;
	s9 =	sld [smem:$0x3FB0]  }
0x2f: {  	lr =	sadd.s32 s0, s3;
	s0 =	sld [smem:$0x3FA7]  }
0x30: {  	s3 =	sld [smem:$0x3FAA]  }
0x31: {  	[smem:$0x3FB3] =	sst s10  }
0x32: {  	s10 =	sld [smem:$0x3FB1];
	_ =	sdelay $0x3  }
0x33: {  	p0 =	seq.s32 s10, $0x1;
	s10 =	sld [smem:$0x3FB3];
	_ =	sdelay $0x3  }
0x34: {  	[smem:$0x3FB3] =	sst s10  }
0x35: {  	s10 =	sld [smem:$0x3FB2];
	_ =	sdelay $0x3  }
0x36: {  	p1 =	seq.s32 s10, $0x1;
	s10 =	sld [smem:$0x3FB3];
	_ =	sdelay $0x3  }
0x37: {  	[smem:$0x3FB3] =	sst s10  }
0x38: {  	s10 =	sld [smem:$0x3FB4]  }
0x39: {  	_ = 	snop;
	(pc) =	sbr.ind lr, $3  }
0x3a: {  	_ = 	snop  }
0x3b: {  	_ = 	snop  }
0x3c: {  	p2 =	seq.s32 s10, $0x1;
	s10 =	sld [smem:$0x3FB3]  }
0x3d: {  	_ =	shalt  }
0x3e: {  	_ =	shalt  }
0x3f: {  	_ =	shalt  }
0x40: {  	_ =	shalt  }
0x41: {  	_ =	shalt  }
0x42: {  	_ =	shalt  }
0x43: {  	_ =	shalt  }
0x44: {  	_ =	shalt  }
0x45: {  	_ =	shalt  }
0x46: {  	_ =	shalt  }
0x47: {  	_ =	shalt  }
0x48: {  	_ =	shalt  }
0x49: {  	_ =	shalt  }
0x4a: {  	_ =	shalt  }
0x4b: {  	_ =	shalt  }
0x4c: {  	_ =	shalt  }
0x4d: {  	_ =	shalt  }
0x4e: {  	_ =	shalt  }
0x4f: {  	_ =	shalt  }
0x50: {  	_ =	shalt  }
0x51: {  	_ =	shalt  }
0x52: {  	_ =	shalt  }
0x53: {  	_ =	shalt  }
0x54: {  	_ =	shalt  }
0x55: {  	_ =	shalt  }
0x56: {  	_ =	shalt  }
0x57: {  	_ =	shalt  }
0x58: {  	_ =	shalt  }
0x59: {  	_ =	shalt  }
0x5a: {  	_ =	shalt  }
0x5b: {  	_ =	shalt  }
0x5c: {  	_ =	shalt  }
0x5d: {  	_ =	shalt  }
0x5e: {  	_ =	shalt  }
0x5f: {  	_ =	shalt  }
0x60: {  	_ =	shalt  }
0x61: {  	_ =	shalt  }
0x62: {  	_ =	shalt  }
0x63: {  	_ =	shalt  }
0x64: {  	_ =	shalt  }
0x65: {  	_ =	shalt  }
0x66: {  	_ =	shalt  }
0x67: {  	_ =	shalt  }
0x68: {  	_ =	shalt  }
0x69: {  	_ =	shalt  }
0x6a: {  	_ =	shalt  }
0x6b: {  	_ =	shalt  }
0x6c: {  	_ =	shalt  }
0x6d: {  	_ =	shalt  }
0x6e: {  	_ =	shalt  }
0x6f: {  	_ =	shalt  }
0x70: {  	_ =	shalt  }
0x71: {  	_ =	shalt  }
0x72: {  	_ =	shalt  }
0x73: {  	_ =	shalt  }
0x74: {  	_ =	shalt  }
0x75: {  	_ =	shalt  }
0x76: {  	_ =	shalt  }
0x77: {  	_ =	shalt  }
0x78: {  	_ =	shalt  }
0x79: {  	_ =	shalt  }
0x7a: {  	_ =	shalt  }
0x7b: {  	_ =	shalt  }
0x7c: {  	_ =	shalt  }
0x7d: {  	_ =	shalt  }
0x7e: {  	_ =	shalt  }
0x7f: {  	_ =	shalt  }
0x80: {  	_ =	shalt  }
0x81: {  	_ =	shalt  }
0x82: {  	_ =	shalt  }
0x83: {  	_ =	shalt  }
0x84: {  	_ =	shalt  }
0x85: {  	_ =	shalt  }
0x86: {  	_ =	shalt  }
0x87: {  	_ =	shalt  }
.Lfunc_end0:
.L_simem_size_0:
called_computation_lowered:
.L_overlay_start_0:
0x88: {  	s2 =	sld [smem:$0x3FD9]  }
0x89: {  	s3 =	sld [smem:$0x3FFE];
	_ =	sdelay $0x1  }
0x8a: {  	s1 =	srdreg.scid  }
0x8b: {  	s0 =	sand.u32 $0x1, s1  }
0x8c: {  	s17 =	sshll.u32 s0, $0xA;
	s2 =	sadd.s32 s3, s2  }
0x8d: {  	s2 =	sadd.s32 s2, s17  }
0x8e: {  	[smem:$0x3FBF] =	sst s2  }
0x8f: {  	_ = 	snop  }
0x90: {  	s2 =	sld [smem:$0x3FC9]  }
0x91: {  	s18 =	sld [smem:$0x3FD0];
	(tm) =	ssettm $0x1  }
0x92: {  	s4 =	sld [smem:$0x3FFB];
	_ =	sdelay $0x3  }
0x93: {  	_ =	strace s4  }
0x94: {  	s4 =	sld [smem:$0x3FFC];
	_ =	sdelay $0x3  }
0x95: {  	_ =	strace s4  }
0x96: {  	s4 =	sld [smem:$0x3FFD];
	_ =	sdelay $0x3  }
0x97: {  	_ =	strace s4  }
0x98: {  	_ =	strace $0x8FFFFFFF  }
0x99: {  	s19 =	sld [smem:$0x3FDB];
	_ =	sdelay $0x1  }
0x9a: {  	s5 =	simm.s32 $_scs_section_size  }
0x9b: {  	s6 =	simm.s32 $_size__tile_overlayer_lowered;
	s7 =	simm.s32 $_tile_overlayer_lowered  }
0x9c: {  	s22 =	simm.s32 $0x1BFF;
	s21 =	sshll.u32 s7, $0x1;
	s4 =	sadd.s32 s5, s19  }
0x9d: {  	s8 =	simm.s32 $0x0;
	s20 =	sshll.u32 s6, $0x1;
	s6 =	sadd.s32 s21, s4  }
0x9e: {  	[timem:s8], [sflag:s22] =	dma.local [hbm:s6], s20  }
0x9f: {  	_ =	swait.ge [sflag:s22], s20  }
0xa0: {  	s5 =	ssub.s32 $0x0, s20;
	[sflag:s22] =	ssyncset.done $0x0  }
0xa1: {  	[sflag:s22] =	ssyncadd.s32 s5;
	_ =	sdelay $0x1  }
0xa2: {  	s23 =	simm.s32 $0x1B8B  }
0xa3: {  	_ =	swait.ge [sflag:s23], $0x1  }
0xa4: {  	[sflag:s23] =	ssyncset.done $0x0  }
0xa5: {  	s25 =	simm.s32 $0x1B8E;
	s24 =	sld [smem:$0x3FFE];
	[sflag:s23] =	ssyncadd.s32 $0xFFFFFFFF  }
0xa6: {  	s26 =	simm.s32 $execute0_lowered;
	[smem:$0x3FD2] =	sst s25  }
0xa7: {  	s6 =	sshll.u32 s26, $0x1;
	_ =	strace $0x80000046;
	[dreg:$0x1] =	wrdreg $0xFFFFFFFF  }
0xa8: {  	s28 =	simm.s32 $_size_execute0_lowered;
	s4 =	sadd.s32 s4, s6;
	[dreg:$0x0] =	wrdreg $0x0  }
0xa9: {  	s6 =	sshll.u32 s28, $0x1;
	[dreg:$0x2] =	wrdreg s4  }
0xaa: {  	[dreg:$0x3] =	wrdreg s6  }
0xab: {  	[dreg:$0x4] =	wrdreg $0xC0  }
0xac: {  	_ =	task [dreg:s8], $0x5FFFF  }
0xad: {  	[dreg:$0x1] =	wrdreg $0xFFFFFFFF  }
0xae: {  	[dreg:$0x0] =	wrdreg $0x60  }
0xaf: {  	[dreg:$0x2] =	wrdreg s2  }
0xb0: {  	[dreg:$0x3] =	wrdreg s24  }
0xb1: {  	[dreg:$0x4] =	wrdreg s18  }
0xb2: {  	[dreg:$0x5] =	wrdreg $0x0  }
0xb3: {  	[dreg:$0x6] =	wrdreg $0x138800  }
0xb4: {  	[dreg:$0x7] =	wrdreg $0x9  }
0xb5: {  	_ =	task.clear_ibuf [dreg:s8], $0x8FFFF;
	_ =	strace $0x90000046  }
0xb6: {  	s29 =	simm.s32 $0x9;
	_ =	strace $0x80000048  }
0xb7: {  	_ =	swait.ge [sflag:s29], $0x1  }
0xb8: {  	[sflag:s29] =	ssyncadd.s32 $0xFFFFFFFF  }
0xb9: {  	_ =	strace $0x90000048  }
0xba: {  	_ =	sfence  }
0xbb: {  	s30 =	sld [smem:$0x0];
	_ =	sdelay $0x2  }
0xbc: {  	s31 =	sshll.u32 s1, $0xD;
	s1 =	sshrl.u32 s1, $0x2  }
0xbd: {  	s3 =	sand.u32 $0x4000, s31;
	s1 =	sadd.s32 s1, s30  }
0xbe: {  	s0 =	sor.u32 s3, s0;
	s1 =	sshll.u32 s1, $0x11  }
0xbf: {  	s0 =	sor.u32 s1, s0  }
0xc0: {  	s0 =	sadd.s32 $0x8F2B, s0  }
0xc1: {  	[sflag:s0] =	ssyncadd.remote.s32 $0x1  }
0xc2: {  	_ =	sfence.sel $0xFFFF  }
0xc3: {  	[dreg:$0x0] =	wrdreg $0xFFFFFFFF;
	(pc) =	sbr.abs _section_cstart, $3  }
0xc4: {  	[dreg:$0x1] =	wrdreg $0xFFFFFFFF  }
0xc5: {  	_ =	task.clear_ibuf [dreg:s8], $0x2FFFF;
	_ =	strace $0x9FFFFFFF  }
0xc6: {  	(tm) =	ssettm $0x7FFFFFFF  }
0xc7: {  	_ =	shalt  }
tec
execute0_lowered:
.L_overlay_start_1:
0x0: {  	(tag) =	ssettag $0x1  }
0x1: {  	s0 =	rddreg [dreg:$0x0]  }
0x2: {  	s1 =	rddreg [dreg:$0x1]  }
0x3: {  	s7 =	rddreg [dreg:$0x2];
	s15 =	stileid.u32  }
0x4: {  	s2 =	rddreg [dreg:$0x3];
	s8 =	smul.u32 $0x2710, s15  }
0x5: {  	s3 =	rddreg [dreg:$0x4];
	s4 =	simm.s32 $0x0;
	s9 =	smul.u32 $0x4E000, s15  }
0x6: {  	s6 =	srdreg.scid;
	s30 =	simm.s32 $0x189F8;
	s16 =	smul.u32 $0xA00, s15  }
0x7: {  	s31 =	simm.s32 $0x5;
	[smem:$0x7FF] =	sst s4;
	s23 =	smul.u32 $0x13800, s15  }
0x8: {  	s11 =	sand.u32 $0x1, s6;
	s25 =	smul.u32 $0x280, s15;
	p0 =	seq.s32 s15, $0xF  }
0x9: {  	s28 =	sadd.s32 $0x138000, s2;
	s29 =	sadd.s32 $0x2580, s3;
	s20 =	smul.u32 $0x27100, s11  }
0xa: {  	s15 =	simm.s32 $0x0;
	_ =	strace $0x80000047;
	s21 =	smul.u32 $0x138800, s11  }
0xb: {  	s12 =	ssub.s32 $0x2, s11;
	s11 =	smul.u32 $0x2710, s11;
	s9 =	sshrl.u32 s9, $0x2  }
0xc: {  	s5 =	sshrl.u32 s8, $0x3;
	s13 =	sshrl.u32 s12, $0x1;
	s6 =	sadd.s32 s9, s2  }
0xd: {  	s10 =	sadd.s32 s5, s1;
	s5 =	sadd.s32 $0x1A00, s1;
	s14 =	sadd.s32 $0x2800, s6  }
0xe: {  	s9 =	ssub.s32 s12, s13;
	s13 =	sadd.s32 $0x5000, s6;
	[dreg:$0x6] =	wrdreg s14  }
0xf: {  	s1 =	sadd.s32 $0x15800, s1;
	s17 =	sadd.s32 $0x7800, s6;
	[dreg:$0x7] =	wrdreg s13  }
0x10: {  	s12 =	sshrl.u32 s16, $0x2;
	s18 =	sadd.s32 $0xA000, s6;
	[dreg:$0x8] =	wrdreg s17  }
0x11: {  	s8 =	sadd.s32 s8, s20;
	s19 =	sadd.s32 $0xC800, s6;
	[dreg:$0x9] =	wrdreg s18  }
0x12: {  	s24 =	sshrl.u32 s21, $0x3;
	s12 =	sadd.s32 s12, s3;
	[dreg:$0xa] =	wrdreg s19  }
0x13: {  	s20 =	sadd.s32 s25, s11;
	s22 =	sadd.s32 $0x10800, s10;
	[dreg:$0xc] =	wrdreg s12  }
0x14: {  	s10 =	sadd.s32 $0xB800, s10;
	s26 =	sshrl.u32 s8, $0x3;
	[dreg:$0xd] =	wrdreg s22  }
0x15: {  	s16 =	sadd.s32 s0, s24;
	s14 =	sadd.s32 $0xF000, s6;
	[dreg:$0xe] =	wrdreg s10  }
0x16: {  	s10 =	sadd.s32 s23, s21;
	s17 =	sadd.s32 s5, s26;
	s19 =	sadd.s32 s7, s24  }
0x17: {  	s21 =	sadd.s32 s25, s3;
	s22 =	sshrl.u32 s11, $0x3;
	s23 =	sadd.s32 $0x50, s8  }
0x18: {  	s26 =	smax.u32 s9, $0x1;
	s9 =	simm.s32 $0x1DA78;
	[dreg:$0xb] =	wrdreg s14  }
0x19: {  	s11 =	simm.s32 $0x3;
	s12 =	simm.s32 $0x2;
	[dreg:$0xf] =	wrdreg s17  }
0x1a: {  	s13 =	simm.s32 $0x4;
	s18 =	sshrl.u32 s10, $0x3;
	[dreg:$0x11] =	wrdreg s21  }
0x1b: {  	s25 =	sshrl.u32 s23, $0x3;
	[dreg:$0x15] =	wrdreg s26;
	s26 =	sadd.s32 $0x11800, s6  }
0x1c: {  	s10 =	simm.s32 $0x1;
	s0 =	sadd.s32 s7, s18;
	s7 =	sshrl.u32 s20, $0x3  }
0x1d: {  	s14 =	simm.s32 $0x18938;
	[dreg:$0x10] =	wrdreg s0;
	s7 =	sadd.s32 s1, s7  }
0x1e: {  	s1 =	sadd.s32 s1, s22;
	s0 =	sadd.s32 $0x27000, s19;
	[dreg:$0x12] =	wrdreg s7  }
0x1f: {  	s25 =	sadd.s32 s25, s5;
	[dreg:$0x13] =	wrdreg s0;
	s24 =	sadd.s32 $0x4B0, s1  }
0x20: {  	s0 =	simm.s32 $0x13AF8;
	s1 =	simm.s32 $0x50;
	s7 =	simm.s32 $0x1D9F8  }
0x21: {  	v0 =	vimm.f32 $0.0e+00;
	[dreg:$0x14] =	wrdreg s24;
	s24 =	sadd.s32 $0xA0, s8;
	s8 =	simm.s32 $0x1B1F8  }
.LBB2_1:
0x22: {  	s17 =	simm.s32 $0x0;
	s18 =	simm.s32 $0x200  }
.LBB2_2:
0x23: {  	p1 =	sne.s32 s18, $0x9E00;
	[tilespmem:s17+$0x18A68] =	vst v0  }
0x24: {  	[tilespmem:s17+$0x189F8] =	vst v0  }
0x25: {  	[tilespmem:s17+$0x18A08] =	vst v0  }
.Ltmp0:
0x26: {  	[tilespmem:s17+$0x18A18] =	vst v0;
	(pc) =	sbr.rel @p1 .LBB2_2-.Ltmp0, $4  }
0x27: {  	[tilespmem:s17+$0x18A28] =	vst v0  }
0x28: {  	[tilespmem:s17+$0x18A38] =	vst v0  }
0x29: {  	[tilespmem:s17+$0x18A48] =	vst v0  }
0x2a: {  	[tilespmem:s17+$0x18A58] =	vst v0;
	s17 =	sshra.s32 s18, $0x2;
	s18 =	sadd.s32 $0x200, s18  }
0x2b: {  	[tilespmem:s17+$0x18A68] =	vst v0  }
0x2c: {  	[tilespmem:s17+$0x189F8] =	vst v0  }
0x2d: {  	[tilespmem:s17+$0x18A08] =	vst v0  }
0x2e: {  	[tilespmem:s17+$0x18A18] =	vst v0  }
0x2f: {  	[tilespmem:s17+$0x18A28] =	vst v0  }
0x30: {  	[tilespmem:s17+$0x18A38] =	vst v0  }
0x31: {  	[tilespmem:s17+$0x18A48] =	vst v0  }
0x32: {  	[tilespmem:s17+$0x18A58] =	vst v0  }
0x33: {  	[tilespmem:$0x1DAF8] =	vst v0  }
0x34: {  	[tilespmem:$0x1DB08] =	vst v0  }
0x35: {  	[tilespmem:$0x1DB18] =	vst v0  }
0x36: {  	[tilespmem:$0x1DB28] =	vst v0  }
0x37: {  	[tilespmem:$0x1DB38] =	vst v0  }
0x38: {  	[tilespmem:$0x1DB48] =	vst v0  }
0x39: {  	[tilespmem:$0x1DB58] =	vst v0  }
0x3a: {  	[tilespmem:$0x1DB68] =	vst v0  }
0x3b: {  	[tilespmem:$0x1DB78] =	vst v0  }
0x3c: {  	[tilespmem:$0x1DB88] =	vst v0  }
0x3d: {  	[tilespmem:$0x1DB98] =	vst v0  }
0x3e: {  	[tilespmem:$0x1DBA8] =	vst v0  }
0x3f: {  	[tilespmem:$0x1DBB8] =	vst v0  }
0x40: {  	[tilespmem:$0x1DBC8] =	vst v0  }
0x41: {  	[tilespmem:$0x1DBD8] =	vst v0  }
0x42: {  	[tilespmem:$0x1DBE8] =	vst v0  }
0x43: {  	[tilespmem:$0x1DBF8] =	vst v0  }
0x44: {  	[tilespmem:$0x1DC08] =	vst v0  }
0x45: {  	[tilespmem:$0x1DC18] =	vst v0  }
0x46: {  	[tilespmem:$0x1DC28] =	vst v0  }
0x47: {  	[tilespmem:$0x1DC38] =	vst v0  }
0x48: {  	[tilespmem:$0x1DC48] =	vst v0  }
0x49: {  	[tilespmem:$0x1DC58] =	vst v0  }
0x4a: {  	[tilespmem:$0x1DC68] =	vst v0  }
0x4b: {  	[tilespmem:$0x1DC78] =	vst v0  }
0x4c: {  	[tilespmem:$0x1DC88] =	vst v0  }
0x4d: {  	[tilespmem:$0x1DC98] =	vst v0  }
0x4e: {  	[tilespmem:$0x1DCA8] =	vst v0  }
0x4f: {  	[tilespmem:$0x1DCB8] =	vst v0  }
0x50: {  	[tilespmem:$0x1DCC8] =	vst v0  }
0x51: {  	[tilespmem:$0x1DCD8] =	vst v0  }
0x52: {  	[tilespmem:$0x1DCE8] =	vst v0  }
0x53: {  	[tilespmem:$0x1DCF8] =	vst v0  }
0x54: {  	[tilespmem:$0x1DD08] =	vst v0  }
0x55: {  	[tilespmem:$0x1DD18] =	vst v0  }
0x56: {  	[tilespmem:$0x1DD28] =	vst v0  }
0x57: {  	[tilespmem:$0x1DD38] =	vst v0  }
0x58: {  	[tilespmem:$0x1DD48] =	vst v0  }
0x59: {  	[tilespmem:$0x1DD58] =	vst v0  }
0x5a: {  	[tilespmem:$0x1DD68] =	vst v0  }
0x5b: {  	[spmem:s6] =	stream.linear.scatter [tilespmem:s30], [sflag:$0x5], $0x2800, $0x38;
	[tilespmem:$0x1DD78] =	vst v63  }
0x5c: {  	_ =	swait.ge [sflag:s31], $0x2800  }
0x5d: {  	[sflag:s31] =	ssyncset.done $0x0  }
0x5e: {  	s20 =	rddreg [dreg:$0x6];
	[sflag:s31] =	ssyncadd.s32 $0xFFFFD800  }
0x5f: {  	[spmem:s20] =	stream.linear.scatter [tilespmem:s30], [sflag:$0x5], $0x2800, $0x38;
	[tilespmem:$0x1DD78] =	vst v63  }
0x60: {  	_ =	swait.ge [sflag:s31], $0x2800  }
0x61: {  	[sflag:s31] =	ssyncset.done $0x0  }
0x62: {  	s21 =	rddreg [dreg:$0x7];
	[sflag:s31] =	ssyncadd.s32 $0xFFFFD800  }
0x63: {  	[spmem:s21] =	stream.linear.scatter [tilespmem:s30], [sflag:$0x5], $0x2800, $0x38;
	[tilespmem:$0x1DD78] =	vst v63  }
0x64: {  	_ =	swait.ge [sflag:s31], $0x2800  }
0x65: {  	[sflag:s31] =	ssyncset.done $0x0  }
0x66: {  	s22 =	rddreg [dreg:$0x8];
	[sflag:s31] =	ssyncadd.s32 $0xFFFFD800  }
0x67: {  	[spmem:s22] =	stream.linear.scatter [tilespmem:s30], [sflag:$0x5], $0x2800, $0x38;
	[tilespmem:$0x1DD78] =	vst v63  }
0x68: {  	_ =	swait.ge [sflag:s31], $0x2800  }
0x69: {  	[sflag:s31] =	ssyncset.done $0x0  }
0x6a: {  	s23 =	rddreg [dreg:$0x9];
	[sflag:s31] =	ssyncadd.s32 $0xFFFFD800  }
0x6b: {  	[spmem:s23] =	stream.linear.scatter [tilespmem:s30], [sflag:$0x5], $0x2800, $0x38;
	[tilespmem:$0x1DD78] =	vst v63  }
0x6c: {  	_ =	swait.ge [sflag:s31], $0x2800  }
0x6d: {  	[sflag:s31] =	ssyncset.done $0x0  }
0x6e: {  	s18 =	rddreg [dreg:$0xa];
	[sflag:s31] =	ssyncadd.s32 $0xFFFFD800  }
0x6f: {  	[spmem:s18] =	stream.linear.scatter [tilespmem:s30], [sflag:$0x5], $0x2800, $0x38;
	[tilespmem:$0x1DD78] =	vst v63  }
0x70: {  	_ =	swait.ge [sflag:s31], $0x2800  }
0x71: {  	[sflag:s31] =	ssyncset.done $0x0  }
0x72: {  	s19 =	rddreg [dreg:$0xb];
	[sflag:s31] =	ssyncadd.s32 $0xFFFFD800  }
0x73: {  	[spmem:s19] =	stream.linear.scatter [tilespmem:s30], [sflag:$0x5], $0x2800, $0x38;
	[tilespmem:$0x1DD78] =	vst v63  }
0x74: {  	_ =	swait.ge [sflag:s31], $0x2800  }
0x75: {  	[sflag:s31] =	ssyncset.done $0x0  }
0x76: {  	[sflag:s31] =	ssyncadd.s32 $0xFFFFD800  }
0x77: {  	[spmem:s26] =	stream.linear.scatter [tilespmem:s30], [sflag:$0x5], $0x2000, $0x38;
	[tilespmem:$0x1DD78] =	vst v63  }
0x78: {  	_ =	swait.ge [sflag:s31], $0x2000  }
0x79: {  	[sflag:s31] =	ssyncset.done $0x0  }
0x7a: {  	s17 =	simm.s32 @p0 $0x189F8;
	[sflag:s31] =	ssyncadd.s32 $0xFFFFE000  }
0x7b: {  	[spmem:s28] =	stream.linear.scatter @p0 [tilespmem:s17], [sflag:$0x5], $0x800, $0x38;
	[tilespmem:$0x1DD78] =	vst v63  }
0x7c: {  	s17 =	simm.s32 @p0 $0x5  }
0x7d: {  	_ =	swait.ge @p0 [sflag:s17], $0x800  }
0x7e: {  	[sflag:s17] =	ssyncset.done @p0 $0x0  }
0x7f: {  	s18 =	simm.s32 @p0 $0x1DAF8;
	[sflag:s17] =	ssyncadd.s32 @p0 $0xFFFFF800  }
0x80: {  	[spmem:s29] =	stream.linear.scatter @p0 [tilespmem:s18], [sflag:$0x5], $0x190, $0x38;
	[tilespmem:$0x1DD78] =	vst v63  }
0x81: {  	_ =	swait.ge @p0 [sflag:s17], $0x190  }
0x82: {  	[sflag:s17] =	ssyncset.done @p0 $0x0  }
0x83: {  	s18 =	rddreg [dreg:$0xc];
	[sflag:s17] =	ssyncadd.s32 @p0 $0xFFFFFE70;
	s17 =	simm.s32 @!p0 $0x1DAF8  }
0x84: {  	[spmem:s18] =	stream.linear.scatter @!p0 [tilespmem:s17], [sflag:$0x5], $0x280, $0x38;
	[tilespmem:$0x1DD78] =	vst v63  }
0x85: {  	s17 =	simm.s32 @!p0 $0x5  }
0x86: {  	_ =	swait.ge @!p0 [sflag:s17], $0x280  }
0x87: {  	[sflag:s17] =	ssyncset.done @!p0 $0x0  }
0x88: {  	s20 =	simm.s32 $0x0;
	s21 =	rddreg [dreg:$0xd];
	[sflag:s17] =	ssyncadd.s32 @!p0 $0xFFFFFD80  }
0x89: {  	[tilespmem:s0], [sflag:$0x5] =	stream.linear.gather [hbm4b:s21+s20], $0x2710, $0x38;
	[tilespmem:$0x1DD78] =	vst v63  }
0x8a: {  	_ =	swait.ge [sflag:s31], $0x2710  }
0x8b: {  	[sflag:s31] =	ssyncset.done $0x0  }
0x8c: {  	s19 =	simm.s32 $0x16278;
	s22 =	rddreg [dreg:$0xe];
	[sflag:s31] =	ssyncadd.s32 $0xFFFFD8F0  }
0x8d: {  	[tilespmem:s19], [sflag:$0x5] =	stream.linear.gather [hbm4b:s22+s20], $0x2710, $0x38;
	[tilespmem:$0x1DD78] =	vst v63  }
0x8e: {  	_ =	swait.ge [sflag:s31], $0x2710  }
0x8f: {  	[sflag:s31] =	ssyncset.done $0x0  }
0x90: {  	[sflag:s31] =	ssyncadd.s32 $0xFFFFD8F0  }
0x91: {  	[bflag:$0x0] =	sbarrier.arrive $0xFFFF  }
0x92: {  	[tilespmem:s30], [sflag:$0x1] =	stream.indirect.gather [hbm4b:s16+s1], $0x80, s0, s1, $0xb8;
	[tilespmem:$0x1DD78] =	vst v63  }
0x93: {  	s23 =	rddreg [dreg:$0xf]  }
0x94: {  	[tilespmem:s7], [sflag:$0x3] =	stream.linear.gather [hbm4b:s23+s20], $0x50, $0x38;
	[tilespmem:$0x1DD78] =	vst v63  }
0x95: {  	s18 =	simm.s32 $0x13B48  }
0x96: {  	[tilespmem:s8], [sflag:$0x2] =	stream.indirect.gather [hbm4b:s16+s1], $0x80, s18, s1, $0xb8;
	[tilespmem:$0x1DD78] =	vst v63  }
0x97: {  	_ = 	snop  }
0x98: {  	[tilespmem:s9], [sflag:$0x4] =	stream.linear.gather [hbm4b:s25+s4], $0x50, $0x38;
	[tilespmem:$0x1DD78] =	vst v63  }
0x99: {  	_ =	swait.ge [sflag:s10], $0x2800  }
0x9a: {  	[sflag:s10] =	ssyncset.done $0x0  }
0x9b: {  	[sflag:s10] =	ssyncadd.s32 $0xFFFFD800  }
0x9c: {  	_ =	swait.ge [sflag:s11], $0x50  }
0x9d: {  	[sflag:s11] =	ssyncset.done $0x0  }
0x9e: {  	s19 =	simm.s32 $0x16278;
	[sflag:s11] =	ssyncadd.s32 $0xFFFFFFB0  }
0x9f: {  	[spmem:s2] =	stream.indirect.scatter.add.f32 [tilespmem:s30], [sflag:$0x5], $0x80, s19, s1, $0xb8;
	[tilespmem:$0x1DD78] =	vst v63  }
0xa0: {  	_ =	swait.ge [sflag:s31], $0x2800  }
0xa1: {  	[sflag:s31] =	ssyncset.done $0x0  }
0xa2: {  	[sflag:s31] =	ssyncadd.s32 $0xFFFFD800  }
0xa3: {  	[spmem:s3] =	stream.indirect.scatter.add.f32 [tilespmem:s7], [sflag:$0x5], $0x1, s19, s1, $0xb8;
	[tilespmem:$0x1DD78] =	vst v63  }
0xa4: {  	_ =	swait.ge [sflag:s31], $0x50  }
0xa5: {  	[sflag:s31] =	ssyncset.done $0x0  }
0xa6: {  	s21 =	sshrl.u32 s24, $0x3;
	s20 =	simm.s32 $0x13B98;
	[sflag:s31] =	ssyncadd.s32 $0xFFFFFFB0  }
0xa7: {  	[tilespmem:s30], [sflag:$0x1] =	stream.indirect.gather [hbm4b:s16+s1], $0x80, s20, s1, $0xb8;
	[tilespmem:$0x1DD78] =	vst v63  }
0xa8: {  	s22 =	sadd.s32 s5, s21  }
0xa9: {  	[tilespmem:s7], [sflag:$0x3] =	stream.linear.gather [hbm4b:s22+s4], $0x50, $0x38;
	[tilespmem:$0x1DD78] =	vst v63  }
0xaa: {  	_ =	swait.ge [sflag:s12], $0x2800  }
0xab: {  	[sflag:s12] =	ssyncset.done $0x0  }
0xac: {  	[sflag:s12] =	ssyncadd.s32 $0xFFFFD800  }
0xad: {  	_ =	swait.ge [sflag:s13], $0x50  }
0xae: {  	[sflag:s13] =	ssyncset.done $0x0  }
0xaf: {  	s23 =	simm.s32 $0x162C8;
	[sflag:s13] =	ssyncadd.s32 $0xFFFFFFB0  }
0xb0: {  	[spmem:s2] =	stream.indirect.scatter.add.f32 [tilespmem:s8], [sflag:$0x5], $0x80, s23, s1, $0xb8;
	[tilespmem:$0x1DD78] =	vst v63  }
0xb1: {  	_ =	swait.ge [sflag:s31], $0x2800  }
0xb2: {  	[sflag:s31] =	ssyncset.done $0x0  }
0xb3: {  	[sflag:s31] =	ssyncadd.s32 $0xFFFFD800  }
0xb4: {  	[spmem:s3] =	stream.indirect.scatter.add.f32 [tilespmem:s9], [sflag:$0x5], $0x1, s23, s1, $0xb8;
	[tilespmem:$0x1DD78] =	vst v63  }
0xb5: {  	s17 =	sadd.s32 $0xA0, s24;
	s18 =	simm.s32 $0xA0;
	_ =	swait.ge [sflag:s31], $0x50  }
0xb6: {  	s19 =	sadd.s32 $0x14, s25;
	s20 =	simm.s32 $0x500;
	[sflag:s31] =	ssyncset.done $0x0  }
.LBB2_4:
0xb7: {  	s23 =	sadd.s32 $0x13B48, s18  }
0xb8: {  	[sflag:s31] =	ssyncadd.s32 $0xFFFFFFB0;
	s21 =	smov.u32 s20;
	s22 =	sadd.s32 $0x280, s20  }
0xb9: {  	[tilespmem:s8], [sflag:$0x2] =	stream.indirect.gather [hbm4b:s16+s1], $0x80, s23, s1, $0xb8;
	[tilespmem:$0x1DD78] =	vst v63  }
0xba: {  	p1 =	sne.s32 s20, $0x9880  }
0xbb: {  	[tilespmem:s9], [sflag:$0x4] =	stream.linear.gather [hbm4b:s19+s4], $0x50, $0x38;
	[tilespmem:$0x1DD78] =	vst v63  }
0xbc: {  	_ =	swait.ge [sflag:s10], $0x2800  }
0xbd: {  	[sflag:s10] =	ssyncset.done $0x0  }
0xbe: {  	[sflag:s10] =	ssyncadd.s32 $0xFFFFD800  }
0xbf: {  	_ =	swait.ge [sflag:s11], $0x50  }
0xc0: {  	[sflag:s11] =	ssyncset.done $0x0  }
0xc1: {  	s20 =	sadd.s32 $0x16278, s18;
	[sflag:s11] =	ssyncadd.s32 $0xFFFFFFB0  }
0xc2: {  	[spmem:s2] =	stream.indirect.scatter.add.f32 [tilespmem:s30], [sflag:$0x5], $0x80, s20, s1, $0xb8;
	[tilespmem:$0x1DD78] =	vst v63  }
0xc3: {  	_ =	swait.ge [sflag:s31], $0x2800  }
0xc4: {  	[sflag:s31] =	ssyncset.done $0x0  }
0xc5: {  	[sflag:s31] =	ssyncadd.s32 $0xFFFFD800  }
0xc6: {  	[spmem:s3] =	stream.indirect.scatter.add.f32 [tilespmem:s7], [sflag:$0x5], $0x1, s20, s1, $0xb8;
	[tilespmem:$0x1DD78] =	vst v63  }
0xc7: {  	_ =	swait.ge [sflag:s31], $0x50  }
0xc8: {  	[sflag:s31] =	ssyncset.done $0x0  }
0xc9: {  	s23 =	sshrl.u32 s17, $0x3;
	s20 =	sadd.s32 $0x13B98, s18;
	[sflag:s31] =	ssyncadd.s32 $0xFFFFFFB0  }
0xca: {  	[tilespmem:s30], [sflag:$0x1] =	stream.indirect.gather [hbm4b:s16+s1], $0x80, s20, s1, $0xb8;
	[tilespmem:$0x1DD78] =	vst v63  }
0xcb: {  	s20 =	sadd.s32 s5, s23  }
0xcc: {  	[tilespmem:s7], [sflag:$0x3] =	stream.linear.gather [hbm4b:s20+s4], $0x50, $0x38;
	[tilespmem:$0x1DD78] =	vst v63  }
0xcd: {  	_ =	swait.ge [sflag:s12], $0x2800  }
0xce: {  	[sflag:s12] =	ssyncset.done $0x0  }
0xcf: {  	[sflag:s12] =	ssyncadd.s32 $0xFFFFD800  }
0xd0: {  	_ =	swait.ge [sflag:s13], $0x50  }
0xd1: {  	[sflag:s13] =	ssyncset.done $0x0  }
0xd2: {  	s18 =	sadd.s32 $0x162C8, s18;
	[sflag:s13] =	ssyncadd.s32 $0xFFFFFFB0  }
0xd3: {  	[spmem:s2] =	stream.indirect.scatter.add.f32 [tilespmem:s8], [sflag:$0x5], $0x80, s18, s1, $0xb8;
	[tilespmem:$0x1DD78] =	vst v63  }
0xd4: {  	_ =	swait.ge [sflag:s31], $0x2800  }
.Ltmp1:
0xd5: {  	[sflag:s31] =	ssyncset.done $0x0;
	(pc) =	sbr.rel @p1 .LBB2_4-.Ltmp1, $4  }
0xd6: {  	[sflag:s31] =	ssyncadd.s32 $0xFFFFD800  }
0xd7: {  	[spmem:s3] =	stream.indirect.scatter.add.f32 [tilespmem:s9], [sflag:$0x5], $0x1, s18, s1, $0xb8;
	[tilespmem:$0x1DD78] =	vst v63  }
0xd8: {  	s17 =	sadd.s32 $0xA0, s17;
	s19 =	sadd.s32 $0x14, s19;
	_ =	swait.ge [sflag:s31], $0x50  }
0xd9: {  	s20 =	smov.u32 s22;
	s18 =	sshra.s32 s21, $0x2;
	[sflag:s31] =	ssyncset.done $0x0  }
0xda: {  	s20 =	sadd.s32 $0x13B48, s18;
	[sflag:s31] =	ssyncadd.s32 $0xFFFFFFB0  }
0xdb: {  	[tilespmem:s8], [sflag:$0x2] =	stream.indirect.gather [hbm4b:s16+s1], $0x80, s20, s1, $0xb8;
	[tilespmem:$0x1DD78] =	vst v63  }
0xdc: {  	_ = 	snop  }
0xdd: {  	[tilespmem:s9], [sflag:$0x4] =	stream.linear.gather [hbm4b:s19+s4], $0x50, $0x38;
	[tilespmem:$0x1DD78] =	vst v63  }
0xde: {  	_ =	swait.ge [sflag:s10], $0x2800  }
0xdf: {  	[sflag:s10] =	ssyncset.done $0x0  }
0xe0: {  	[sflag:s10] =	ssyncadd.s32 $0xFFFFD800  }
0xe1: {  	_ =	swait.ge [sflag:s11], $0x50  }
0xe2: {  	[sflag:s11] =	ssyncset.done $0x0  }
0xe3: {  	s22 =	sadd.s32 $0x16278, s18;
	[sflag:s11] =	ssyncadd.s32 $0xFFFFFFB0  }
0xe4: {  	[spmem:s2] =	stream.indirect.scatter.add.f32 [tilespmem:s30], [sflag:$0x5], $0x80, s22, s1, $0xb8;
	[tilespmem:$0x1DD78] =	vst v63  }
0xe5: {  	_ =	swait.ge [sflag:s31], $0x2800  }
0xe6: {  	[sflag:s31] =	ssyncset.done $0x0  }
0xe7: {  	[sflag:s31] =	ssyncadd.s32 $0xFFFFD800  }
0xe8: {  	[spmem:s3] =	stream.indirect.scatter.add.f32 [tilespmem:s7], [sflag:$0x5], $0x1, s22, s1, $0xb8;
	[tilespmem:$0x1DD78] =	vst v63  }
0xe9: {  	_ =	swait.ge [sflag:s31], $0x50  }
0xea: {  	[sflag:s31] =	ssyncset.done $0x0  }
0xeb: {  	s23 =	sadd.s32 $0x13B98, s18;
	s17 =	sshrl.u32 s17, $0x3;
	[sflag:s31] =	ssyncadd.s32 $0xFFFFFFB0  }
0xec: {  	[tilespmem:s30], [sflag:$0x1] =	stream.indirect.gather [hbm4b:s16+s1], $0x80, s23, s1, $0xb8;
	[tilespmem:$0x1DD78] =	vst v63  }
0xed: {  	s17 =	sadd.s32 s5, s17  }
0xee: {  	[tilespmem:s7], [sflag:$0x3] =	stream.linear.gather [hbm4b:s17+s4], $0x50, $0x38;
	[tilespmem:$0x1DD78] =	vst v63  }
0xef: {  	_ =	swait.ge [sflag:s12], $0x2800  }
0xf0: {  	[sflag:s12] =	ssyncset.done $0x0  }
0xf1: {  	[sflag:s12] =	ssyncadd.s32 $0xFFFFD800  }
0xf2: {  	_ =	swait.ge [sflag:s13], $0x50  }
0xf3: {  	[sflag:s13] =	ssyncset.done $0x0  }
0xf4: {  	s19 =	sadd.s32 $0x162C8, s18;
	[sflag:s13] =	ssyncadd.s32 $0xFFFFFFB0  }
0xf5: {  	[spmem:s2] =	stream.indirect.scatter.add.f32 [tilespmem:s8], [sflag:$0x5], $0x80, s19, s1, $0xb8;
	[tilespmem:$0x1DD78] =	vst v63  }
0xf6: {  	_ =	swait.ge [sflag:s31], $0x2800  }
0xf7: {  	[sflag:s31] =	ssyncset.done $0x0  }
0xf8: {  	[sflag:s31] =	ssyncadd.s32 $0xFFFFD800  }
0xf9: {  	[spmem:s3] =	stream.indirect.scatter.add.f32 [tilespmem:s9], [sflag:$0x5], $0x1, s19, s1, $0xb8;
	[tilespmem:$0x1DD78] =	vst v63  }
0xfa: {  	_ =	swait.ge [sflag:s31], $0x50  }
0xfb: {  	[sflag:s31] =	ssyncset.done $0x0  }
0xfc: {  	[sflag:s31] =	ssyncadd.s32 $0xFFFFFFB0  }
0xfd: {  	_ =	swait.ge [sflag:s10], $0x2800  }
0xfe: {  	[sflag:s10] =	ssyncset.done $0x0  }
0xff: {  	[sflag:s10] =	ssyncadd.s32 $0xFFFFD800  }
0x100: {  	_ =	swait.ge [sflag:s11], $0x50  }
0x101: {  	[sflag:s11] =	ssyncset.done $0x0  }
0x102: {  	[sflag:s11] =	ssyncadd.s32 $0xFFFFFFB0  }
0x103: {  	[spmem:s2] =	stream.indirect.scatter.add.f32 [tilespmem:s30], [sflag:$0x5], $0x80, s14, s1, $0xb8;
	[tilespmem:$0x1DD78] =	vst v63  }
0x104: {  	_ =	swait.ge [sflag:s31], $0x2800  }
0x105: {  	[sflag:s31] =	ssyncset.done $0x0  }
0x106: {  	[sflag:s31] =	ssyncadd.s32 $0xFFFFD800  }
0x107: {  	[spmem:s3] =	stream.indirect.scatter.add.f32 [tilespmem:s7], [sflag:$0x5], $0x1, s14, s1, $0xb8;
	[tilespmem:$0x1DD78] =	vst v63  }
0x108: {  	_ =	swait.ge [sflag:s31], $0x50  }
0x109: {  	[sflag:s31] =	ssyncset.done $0x0  }
0x10a: {  	s20 =	stileid.u32;
	[sflag:s31] =	ssyncadd.s32 $0xFFFFFFB0  }
0x10b: {  	s17 =	sshll.u32 s20, $0x6;
	[bflag:$0x0] =	sbarrier.arrive $0xFFFF  }
0x10c: {  	s21 =	sshrl.u32 s6, $0x3;
	s17 =	sor.u32 $0x1C05, s17;
	s22 =	rddreg [dreg:$0x10]  }
0x10d: {  	[hbm:s22], [sflag:s17] =	dma.local [spmem:s21], $0x2700  }
0x10e: {  	_ =	swait.ge [sflag:s31], $0x2700  }
0x10f: {  	[sflag:s31] =	ssyncset.done $0x0  }
0x110: {  	s18 =	sshrl.u32 @p0 s28, $0x3;
	s19 =	rddreg [dreg:$0x13];
	[sflag:s31] =	ssyncadd.s32 $0xFFFFD900  }
0x111: {  	[hbm:s19], [sflag:s17] =	dma.local @p0 [spmem:s18], $0x100  }
0x112: {  	s17 =	simm.s32 @p0 $0x5  }
0x113: {  	_ =	swait.ge @p0 [sflag:s17], $0x100  }
0x114: {  	[sflag:s17] =	ssyncset.done @p0 $0x0  }
0x115: {  	s18 =	simm.s32 @p0 $0x1DAF8;
	[sflag:s17] =	ssyncadd.s32 @p0 $0xFFFFFF00  }
0x116: {  	[tilespmem:s18], [sflag:$0x5] =	stream.linear.gather @p0 [spmem:s29], $0x190, $0x38;
	[tilespmem:$0x1DD78] =	vst v63  }
0x117: {  	_ =	swait.ge @p0 [sflag:s17], $0x190  }
0x118: {  	[sflag:s17] =	ssyncset.done @p0 $0x0  }
0x119: {  	s19 =	simm.s32 @p0 $0x0;
	s20 =	rddreg [dreg:$0x14];
	[sflag:s17] =	ssyncadd.s32 @p0 $0xFFFFFE70  }
0x11a: {  	[hbm4b:s20+s19] =	stream.linear.scatter @p0 [tilespmem:s18], [sflag:$0x5], $0x190, $0x38;
	[tilespmem:$0x1DD78] =	vst v63  }
0x11b: {  	_ =	swait.ge @p0 [sflag:s17], $0x190  }
0x11c: {  	[sflag:s17] =	ssyncset.done @p0 $0x0  }
0x11d: {  	s18 =	rddreg [dreg:$0x11];
	[sflag:s17] =	ssyncadd.s32 @p0 $0xFFFFFE70;
	s17 =	simm.s32 @!p0 $0x1DAF8  }
0x11e: {  	[tilespmem:s17], [sflag:$0x5] =	stream.linear.gather @!p0 [spmem:s18], $0x280, $0x38;
	[tilespmem:$0x1DD78] =	vst v63  }
0x11f: {  	s18 =	simm.s32 @!p0 $0x5  }
0x120: {  	_ =	swait.ge @!p0 [sflag:s18], $0x280  }
0x121: {  	[sflag:s18] =	ssyncset.done @!p0 $0x0  }
0x122: {  	s19 =	simm.s32 @!p0 $0x0;
	s20 =	rddreg [dreg:$0x12];
	[sflag:s18] =	ssyncadd.s32 @!p0 $0xFFFFFD80  }
0x123: {  	[hbm4b:s20+s19] =	stream.linear.scatter @!p0 [tilespmem:s17], [sflag:$0x5], $0x280, $0x38;
	[tilespmem:$0x1DD78] =	vst v63  }
0x124: {  	_ =	swait.ge @!p0 [sflag:s18], $0x280  }
0x125: {  	s15 =	sadd.s32 $0x1, s15;
	s23 =	rddreg [dreg:$0x15]  }
0x126: {  	p1 =	sne.s32 s15, s23  }
.Ltmp2:
0x127: {  	_ = 	snop;
	(pc) =	sbr.rel @p1 .LBB2_1-.Ltmp2, $3  }
0x128: {  	_ =	sdelay $0x1  }
0x129: {  	[sflag:s18] =	ssyncset.done @!p0 $0x0  }
0x12a: {  	[sflag:s18] =	ssyncadd.s32 @!p0 $0xFFFFFD80  }
0x12b: {  	_ =	sfence.sel $0x180000  }
0x12c: {  	[bflag:$0x0] =	sbarrier.arrive $0xFFFF  }
0x12d: {  	_ =	strace $0x90000047  }
0x12e: {  	s0 =	stileid.u32;
	[bflag:$0x2] =	sbarrier.arrive $0xFFFF  }
0x12f: {  	p0 =	sne.s32 s0, $0x0;
	s0 =	rddreg [dreg:$0x5]  }
0x130: {  	s0 =	sadd.s32 @!p0 $0x100000, s0  }
0x131: {  	[sflag:s0] =	ssyncadd.tile.s32 @!p0 $0x1;
	_ =	shalt  }
.Lfunc_end2:
_tile_overlayer_lowered:
.L_overlay_start_2:
0x132: {  	(tag) =	ssettag $0x2  }
0x133: {  	s0 =	rddreg [dreg:$0x0];
	s2 =	stileid.u32  }
0x134: {  	s1 =	rddreg [dreg:$0x1];
	p0 =	sne.s32 s2, $0x0  }
0x135: {  	s3 =	rddreg [dreg:$0x2];
	[bflag:$0x3] =	sbarrier.arrive $0xFFFF;
	s2 =	simm.s32 @!p0 $0x1C05  }
0x136: {  	[timem:s3], [sflag:s2] =	dma.local @!p0 [hbm:s0], s1  }
0x137: {  	s0 =	simm.s32 @!p0 $0x5  }
0x138: {  	_ =	swait.ge @!p0 [sflag:s0], s1  }
0x139: {  	s1 =	ssub.s32 @!p0 $0x0, s1;
	[sflag:s0] =	ssyncset.done @!p0 $0x0  }
0x13a: {  	[sflag:s0] =	ssyncadd.s32 @!p0 s1  }
0x13b: {  	[bflag:$0x3] =	sbarrier.arrive $0xFFFF  }
0x13c: {  	_ =	shalt  }

</sc_bundles>
